<compile_context>
chip_gen: v7x
topology: tpu7x:2x2x1
jax: 0.10.2.dev20260603
libtpu: 0.0.44.dev20260713+nightly
codegen_flags: <defaults>
</compile_context>

<pallas_src>
import jax
import jax.numpy as jnp
from jax import lax
from jax.experimental import pallas as pl
from jax.experimental.pallas import tpu as pltpu
from jax.experimental.pallas import tpu_sc as plsc

N = 10000
D = 128
E = 320000
NC, NS, L = 2, 16, 16
NW = NC * NS
CHUNK = 128
CPT = -(-E // (NS * CHUNK))
EPT = CPT * CHUNK
E_PAD_T = NS * EPT
NPAD = 10240
ZR = NPAD // NS
NG = 3
NK = 1
NBUF = NG + NK
NG2 = 3
NK2 = 3
NBUF2 = NG2 + NK2

_MESH = plsc.VectorSubcoreMesh(core_axis_name="c", subcore_axis_name="s")


def _sc_agg_l1_body(xlo_hbm, xhi_hbm, src_hbm, dst_hbm, z64_hbm, z16_hbm,
                    ones_hbm,
                    agg_hbm, cnt_hbm,
                    src_v, dst_v, rows_v, ones_v, acc, acc_cnt, gsem, ssem):
    c = lax.axis_index("c")
    s = lax.axis_index("s")
    pltpu.sync_copy(z64_hbm, acc.at[pl.ds(s * ZR, ZR)])
    pltpu.sync_copy(z16_hbm, acc_cnt.at[pl.ds(s * ZR, ZR)])
    pltpu.sync_copy(src_hbm.at[s], src_v)
    pltpu.sync_copy(dst_hbm.at[s], dst_v)
    pltpu.sync_copy(ones_hbm, ones_v)
    plsc.subcore_barrier()

    def run(x_hbm, parity):
        for b in range(NG):
            pltpu.async_copy(x_hbm.at[src_v.at[b]], rows_v.at[b], gsem)

        def step(j, carry):
            pltpu.make_async_copy(x_hbm.at[src_v.at[j]],
                                  rows_v.at[j % NBUF], gsem).wait()

            @pl.when(j >= NK)
            def _():
                pltpu.make_async_copy(rows_v.at[(j - NK) % NBUF],
                                      acc.at[dst_v.at[j - NK]], ssem).wait()

            @pl.when(j + NG < CPT)
            def _():
                pltpu.async_copy(x_hbm.at[src_v.at[j + NG]],
                                 rows_v.at[(j + NG) % NBUF], gsem)

            pltpu.async_copy(rows_v.at[j % NBUF], acc.at[dst_v.at[j]], ssem,
                             add=True)

            @pl.when(lax.rem(j, 2) == parity)
            def _():
                pltpu.sync_copy(ones_v, acc_cnt.at[dst_v.at[j]], add=True)
            return carry

        lax.fori_loop(0, CPT, step, 0)
        for t in range(CPT - NK, CPT):
            pltpu.make_async_copy(rows_v.at[t % NBUF],
                                  acc.at[dst_v.at[t]], ssem).wait()

    @pl.when(c == 0)
    def _():
        run(xlo_hbm, 0)

    @pl.when(c == 1)
    def _():
        run(xhi_hbm, 1)

    plsc.subcore_barrier()
    base = s * ZR
    pltpu.sync_copy(acc.at[pl.ds(base, ZR)], agg_hbm.at[c, pl.ds(base, ZR)])
    pltpu.sync_copy(acc_cnt.at[pl.ds(base, ZR)], cnt_hbm.at[c, pl.ds(base, ZR)])


_sc_agg_l1 = pl.kernel(
    _sc_agg_l1_body,
    out_type=(
        jax.ShapeDtypeStruct((NC, NPAD, D // 2), jnp.float32),
        jax.ShapeDtypeStruct((NC, NPAD, L), jnp.float32),
    ),
    mesh=_MESH,
    scratch_types=[
        pltpu.VMEM((CPT, CHUNK), jnp.int32),
        pltpu.VMEM((CPT, CHUNK), jnp.int32),
        pltpu.VMEM((NBUF, CHUNK, D // 2), jnp.float32),
        pltpu.VMEM((CHUNK, L), jnp.float32),
        pltpu.VMEM_SHARED((NPAD, D // 2), jnp.float32),
        pltpu.VMEM_SHARED((NPAD, L), jnp.float32),
        pltpu.SemaphoreType.DMA,
        pltpu.SemaphoreType.DMA,
    ],
    compiler_params=pltpu.CompilerParams(use_tc_tiling_on_sc=False),
)


def _sc_agg_l2_body(t_hbm, src_hbm, dst_hbm, z16_hbm,
                    agg_hbm,
                    src_v, dst_v, rows_v, acc, gsem, ssem):
    c = lax.axis_index("c")
    s = lax.axis_index("s")
    pltpu.sync_copy(z16_hbm, acc.at[pl.ds(s * ZR, ZR)])
    pltpu.sync_copy(src_hbm.at[s], src_v)
    pltpu.sync_copy(dst_hbm.at[s], dst_v)
    plsc.subcore_barrier()
    cph = CPT // 2 + 1 - c
    for b in range(NG2):
        pltpu.async_copy(t_hbm.at[src_v.at[2 * b + c]], rows_v.at[b], gsem)

    def step(t, carry):
        j = 2 * t + c
        pltpu.make_async_copy(t_hbm.at[src_v.at[j]],
                              rows_v.at[t % NBUF2], gsem).wait()

        @pl.when(t >= NK2)
        def _():
            pltpu.make_async_copy(rows_v.at[(t - NK2) % NBUF2],
                                  acc.at[dst_v.at[j - 2 * NK2]], ssem).wait()

        @pl.when(t + NG2 < cph)
        def _():
            pltpu.async_copy(t_hbm.at[src_v.at[j + 2 * NG2]],
                             rows_v.at[(t + NG2) % NBUF2], gsem)

        pltpu.async_copy(rows_v.at[t % NBUF2], acc.at[dst_v.at[j]], ssem,
                         add=True)
        return carry

    lax.fori_loop(0, cph, step, 0)
    for u in range(NK2):
        t = cph - NK2 + u
        pltpu.make_async_copy(rows_v.at[lax.rem(t, NBUF2)],
                              acc.at[dst_v.at[2 * t + c]], ssem).wait()
    plsc.subcore_barrier()
    base = s * ZR
    pltpu.sync_copy(acc.at[pl.ds(base, ZR)], agg_hbm.at[c, pl.ds(base, ZR)])


_sc_agg_l2 = pl.kernel(
    _sc_agg_l2_body,
    out_type=jax.ShapeDtypeStruct((NC, NPAD, L), jnp.float32),
    mesh=_MESH,
    scratch_types=[
        pltpu.VMEM((CPT, CHUNK), jnp.int32),
        pltpu.VMEM((CPT, CHUNK), jnp.int32),
        pltpu.VMEM((NBUF2, CHUNK, L), jnp.float32),
        pltpu.VMEM_SHARED((NPAD, L), jnp.float32),
        pltpu.SemaphoreType.DMA,
        pltpu.SemaphoreType.DMA,
    ],
    compiler_params=pltpu.CompilerParams(use_tc_tiling_on_sc=False),
)


def _matmul_t(a, w):
    return lax.dot_general(a, w, (((1,), (1,)), ((), ())),
                           preferred_element_type=jnp.float32)


BR = 1000


def _tc_layer1_body(aggp, cntp, x, w1l, w1r, b1, w2lp, w2rp, b2p,
                    h2_out, hr_out):
    agg = jnp.concatenate([aggp[0], aggp[1]], axis=1)
    cnt = cntp[0, :, 0:1] + cntp[1, :, 0:1]
    mean = agg / jnp.maximum(cnt, 1.0)
    h = jnp.maximum(_matmul_t(mean, w1l[...]) + b1[...] +
                    _matmul_t(x[...], w1r[...]), 0.0)
    h2_out[...] = _matmul_t(h, w2lp[...])
    hr_out[...] = _matmul_t(h, w2rp[...]) + b2p[...]


def _tc_layer1(agg, cnt, x, w1l, w1r, b1, w2lp, w2rp, b2p):
    grid = N // BR
    full = lambda shape: pl.BlockSpec(shape, lambda i: (0,) * len(shape))
    return pl.pallas_call(
        _tc_layer1_body,
        grid=(grid,),
        in_specs=[
            pl.BlockSpec((NC, BR, D // 2), lambda i: (0, i, 0)),
            pl.BlockSpec((NC, BR, L), lambda i: (0, i, 0)),
            pl.BlockSpec((BR, D), lambda i: (i, 0)),
            full((D, D)),
            full((D, D)),
            full((1, D)),
            full((L, D)),
            full((L, D)),
            full((1, L)),
        ],
        out_specs=[
            pl.BlockSpec((BR, L), lambda i: (i, 0)),
            pl.BlockSpec((BR, L), lambda i: (i, 0)),
        ],
        out_shape=[
            jax.ShapeDtypeStruct((N, L), jnp.float32),
            jax.ShapeDtypeStruct((N, L), jnp.float32),
        ],
    )(agg, cnt, x, w1l, w1r, b1, w2lp, w2rp, b2p)


def _tc_layer2_body(a2p, cntp, hr, out):
    a = a2p[0] + a2p[1]
    cnt = cntp[0, :, 0:1] + cntp[1, :, 0:1]
    mean2 = a / jnp.maximum(cnt, 1.0)
    out[...] = mean2[:, 0:2] + hr[:, 0:2]


def _tc_layer2(agg2, cnt, hr):
    grid = N // BR
    return pl.pallas_call(
        _tc_layer2_body,
        grid=(grid,),
        in_specs=[
            pl.BlockSpec((NC, BR, L), lambda i: (0, i, 0)),
            pl.BlockSpec((NC, BR, L), lambda i: (0, i, 0)),
            pl.BlockSpec((BR, L), lambda i: (i, 0)),
        ],
        out_specs=pl.BlockSpec((BR, 2), lambda i: (i, 0)),
        out_shape=jax.ShapeDtypeStruct((N, 2), jnp.float32),
    )(agg2, cnt, hr)


def kernel(x, edge_index, W1_l, W1_r, b1, W2_l, W2_r, b2):
    src = edge_index[0].astype(jnp.int32)
    dst = edge_index[1].astype(jnp.int32)
    pad_t = E_PAD_T - E
    src_t = jnp.concatenate([src, jnp.zeros((pad_t,), jnp.int32)]
                            ).reshape(NS, CPT, CHUNK)
    dst_t = jnp.concatenate([dst, jnp.full((pad_t,), N, jnp.int32)]
                            ).reshape(NS, CPT, CHUNK)
    z64 = jnp.zeros((ZR, D // 2), jnp.float32)
    z16 = jnp.zeros((ZR, L), jnp.float32)
    ones16 = jnp.ones((CHUNK, L), jnp.float32)
    xlo = x[:, :D // 2]
    xhi = x[:, D // 2:]

    agg, cnt = _sc_agg_l1(xlo, xhi, src_t, dst_t, z64, z16, ones16)

    w2lp = jnp.zeros((L, D), jnp.float32).at[0:2].set(W2_l)
    w2rp = jnp.zeros((L, D), jnp.float32).at[0:2].set(W2_r)
    b2p = jnp.zeros((1, L), jnp.float32).at[0, 0:2].set(b2)
    h2, hr = _tc_layer1(agg, cnt, x, W1_l, W1_r, b1.reshape(1, D),
                        w2lp, w2rp, b2p)

    agg2 = _sc_agg_l2(h2, src_t, dst_t, z16)
    return _tc_layer2(agg2, cnt, hr)

# --- scband reference (transcript-rebuilt; emitter-appended) ---
"""Pipeline reference for scband-fraud-gnn-17532056502368 (READ-ONLY COPY).

The authoritative reference and input builder live on the scoring server;
editing this copy changes nothing except your own understanding.
"""

import jax, jax.numpy as jnp
import numpy as np

N_NODES = 10000


def sage_conv(x, src, dst, W_l, W_r, b, num_nodes):
    # PyG SAGEConv with mean aggregation:
    # out = lin_l(mean_{j in N(i)} x_j) + lin_r(x_i)
    msgs = x[src]  # gather source node features per edge
    agg = jax.ops.segment_sum(msgs, dst, num_segments=num_nodes)
    cnt = jax.ops.segment_sum(jnp.ones((src.shape[0], 1), dtype=x.dtype), dst, num_segments=num_nodes)
    mean = agg / jnp.maximum(cnt, 1.0)
    return mean @ W_l.T + b + x @ W_r.T


def setup_inputs(seed: int = 0) -> dict:
    key = jax.random.key(seed)
    k_x, k_e, k1, k2, k3, k4 = jax.random.split(key, 6)
    x = jax.random.normal(k_x, (N_NODES, 128), dtype=jnp.float32)
    edge_index = jax.random.randint(k_e, (2, 320000), 0, N_NODES, dtype=jnp.int64)
    s1 = 1.0 / np.sqrt(128)
    W1_l = jax.random.uniform(k1, (128, 128), minval=-s1, maxval=s1, dtype=jnp.float32)
    W1_r = jax.random.uniform(k2, (128, 128), minval=-s1, maxval=s1, dtype=jnp.float32)
    b1 = jnp.zeros((128,), dtype=jnp.float32)
    W2_l = jax.random.uniform(k3, (2, 128), minval=-s1, maxval=s1, dtype=jnp.float32)
    W2_r = jax.random.uniform(k4, (2, 128), minval=-s1, maxval=s1, dtype=jnp.float32)
    b2 = jnp.zeros((2,), dtype=jnp.float32)
    return {"x": x, "edge_index": edge_index, "W1_l": W1_l, "W1_r": W1_r, "b1": b1, "W2_l": W2_l, "W2_r": W2_r, "b2": b2}


def reference(x, edge_index, W1_l, W1_r, b1, W2_l, W2_r, b2):
    src = edge_index[0]
    dst = edge_index[1]
    h = sage_conv(x, src, dst, W1_l, W1_r, b1, N_NODES)
    h = jax.nn.relu(h)
    # dropout p=0.5 is identity in eval mode (training=False)
    out = sage_conv(h, src, dst, W2_l, W2_r, b2, N_NODES)
    return out

if __name__ == "__main__":
    import jax
    _d = setup_inputs()
    print(jax.jit(kernel)(*tuple(_d.values())))

</pallas_src>

<mosaic_0001>
#map = affine_map<(d0, d1) -> (0, 0)>
#map1 = affine_map<(d0, d1) -> (0, 0, 0)>
module attributes {stable_mosaic.version = 14 : i64} {
  func.func @_sc_agg_l2_body(%arg0: i32, %arg1: i32, %arg2: memref<10000x16xf32, #tpu.memory_space<hbm>>, %arg3: memref<16x157x128xi32, #tpu.memory_space<hbm>>, %arg4: memref<16x157x128xi32, #tpu.memory_space<hbm>>, %arg5: memref<640x16xf32, #tpu.memory_space<hbm>>, %arg6: memref<2x10240x16xf32, #tpu.memory_space<hbm>>, %arg7: memref<157x128xi32, #tpu.memory_space<vmem>>, %arg8: memref<157x128xi32, #tpu.memory_space<vmem>>, %arg9: memref<6x128x16xf32, #tpu.memory_space<vmem>>, %arg10: memref<10240x16xf32, #tpu.memory_space<vmem_shared>>, %arg11: memref<!tpu.dma_semaphore, #tpu.memory_space<semaphore_mem>>, %arg12: memref<!tpu.dma_semaphore, #tpu.memory_space<semaphore_mem>>) attributes {dimension_semantics = [#tpu.dimension_semantics<core_parallel>, #tpu.dimension_semantics<subcore_parallel>], iteration_bounds = array<i64: 2, 16>, scalar_prefetch = 0 : i64, scratch_operands = 6 : i64, tpu.core_type = #tpu.core_type<sc_vector_subcore>, window_params = [{transform_indices = #map}, {transform_indices = #map1}, {transform_indices = #map1}, {transform_indices = #map}, {transform_indices = #map1}]} {
    %mul3A = arith.constant 640 : i32
    %mul3A_0 = arith.muli %arg1, %mul3A : i32
    "tpu.region"() ({
      %run_scoped3A = tpu.sem_alloc : memref<!tpu.dma_semaphore, #tpu.memory_space<semaphore_mem>>
      %dma_start3A_106 = arith.constant 0 : i32
      %dma_start3A_107 = tpu.memref_slice %arg10[%mul3A_0, %dma_start3A_106] : memref<10240x16xf32, #tpu.memory_space<vmem_shared>> -> memref<640x16xf32, #tpu.memory_space<vmem_shared>>
      tpu.enqueue_dma source(%arg5 : memref<640x16xf32, #tpu.memory_space<hbm>>) target(%dma_start3A_107 : memref<640x16xf32, #tpu.memory_space<vmem_shared>>) target_semaphore(%run_scoped3A : memref<!tpu.dma_semaphore, #tpu.memory_space<semaphore_mem>>)
      %dma_wait3A_108 = arith.constant 0 : i32
      %dma_wait3A_109 = tpu.memref_slice %arg10[%mul3A_0, %dma_wait3A_108] : memref<10240x16xf32, #tpu.memory_space<vmem_shared>> -> memref<640x16xf32, #tpu.memory_space<vmem_shared>>
      tpu.wait_dma2 semaphore(%run_scoped3A : memref<!tpu.dma_semaphore, #tpu.memory_space<semaphore_mem>>) src(%arg5 : memref<640x16xf32, #tpu.memory_space<hbm>>) dst(%dma_wait3A_109 : memref<640x16xf32, #tpu.memory_space<vmem_shared>>)
      tpu.yield
    }) : () -> ()
    "tpu.region"() ({
      %run_scoped3A = tpu.sem_alloc : memref<!tpu.dma_semaphore, #tpu.memory_space<semaphore_mem>>
      %dma_start3A_106 = arith.constant 0 : i32
      %dma_start3A_107 = arith.constant 0 : i32
      %dma_start3A_108 = tpu.memref_slice %arg3[%arg1, %dma_start3A_106, %dma_start3A_107] : memref<16x157x128xi32, #tpu.memory_space<hbm>> -> memref<1x157x128xi32, #tpu.memory_space<hbm>>
      %dma_start3A_109 = tpu.memref_squeeze %dma_start3A_108 : memref<1x157x128xi32, #tpu.memory_space<hbm>> -> memref<157x128xi32, #tpu.memory_space<hbm>>
      %dma_start3A_110 = arith.constant 0 : i32
      %dma_start3A_111 = arith.constant 0 : i32
      %dma_start3A_112 = tpu.memref_slice %arg3[%arg1, %dma_start3A_110, %dma_start3A_111] : memref<16x157x128xi32, #tpu.memory_space<hbm>> -> memref<1x157x128xi32, #tpu.memory_space<hbm>>
      %dma_start3A_113 = tpu.memref_squeeze %dma_start3A_112 : memref<1x157x128xi32, #tpu.memory_space<hbm>> -> memref<157x128xi32, #tpu.memory_space<hbm>>
      tpu.enqueue_dma source(%dma_start3A_113 : memref<157x128xi32, #tpu.memory_space<hbm>>) target(%arg7 : memref<157x128xi32, #tpu.memory_space<vmem>>) target_semaphore(%run_scoped3A : memref<!tpu.dma_semaphore, #tpu.memory_space<semaphore_mem>>)
      %dma_wait3A_114 = arith.constant 0 : i32
      %dma_wait3A_115 = arith.constant 0 : i32
      %dma_wait3A_116 = tpu.memref_slice %arg3[%arg1, %dma_wait3A_114, %dma_wait3A_115] : memref<16x157x128xi32, #tpu.memory_space<hbm>> -> memref<1x157x128xi32, #tpu.memory_space<hbm>>
      %dma_wait3A_117 = tpu.memref_squeeze %dma_wait3A_116 : memref<1x157x128xi32, #tpu.memory_space<hbm>> -> memref<157x128xi32, #tpu.memory_space<hbm>>
      %dma_wait3A_118 = arith.constant 0 : i32
      %dma_wait3A_119 = arith.constant 0 : i32
      %dma_wait3A_120 = tpu.memref_slice %arg3[%arg1, %dma_wait3A_118, %dma_wait3A_119] : memref<16x157x128xi32, #tpu.memory_space<hbm>> -> memref<1x157x128xi32, #tpu.memory_space<hbm>>
      %dma_wait3A_121 = tpu.memref_squeeze %dma_wait3A_120 : memref<1x157x128xi32, #tpu.memory_space<hbm>> -> memref<157x128xi32, #tpu.memory_space<hbm>>
      tpu.wait_dma2 semaphore(%run_scoped3A : memref<!tpu.dma_semaphore, #tpu.memory_space<semaphore_mem>>) src(%dma_wait3A_121 : memref<157x128xi32, #tpu.memory_space<hbm>>) dst(%arg7 : memref<157x128xi32, #tpu.memory_space<vmem>>)
      tpu.yield
    }) : () -> ()
    "tpu.region"() ({
      %run_scoped3A = tpu.sem_alloc : memref<!tpu.dma_semaphore, #tpu.memory_space<semaphore_mem>>
      %dma_start3A_106 = arith.constant 0 : i32
      %dma_start3A_107 = arith.constant 0 : i32
      %dma_start3A_108 = tpu.memref_slice %arg4[%arg1, %dma_start3A_106, %dma_start3A_107] : memref<16x157x128xi32, #tpu.memory_space<hbm>> -> memref<1x157x128xi32, #tpu.memory_space<hbm>>
      %dma_start3A_109 = tpu.memref_squeeze %dma_start3A_108 : memref<1x157x128xi32, #tpu.memory_space<hbm>> -> memref<157x128xi32, #tpu.memory_space<hbm>>
      %dma_start3A_110 = arith.constant 0 : i32
      %dma_start3A_111 = arith.constant 0 : i32
      %dma_start3A_112 = tpu.memref_slice %arg4[%arg1, %dma_start3A_110, %dma_start3A_111] : memref<16x157x128xi32, #tpu.memory_space<hbm>> -> memref<1x157x128xi32, #tpu.memory_space<hbm>>
      %dma_start3A_113 = tpu.memref_squeeze %dma_start3A_112 : memref<1x157x128xi32, #tpu.memory_space<hbm>> -> memref<157x128xi32, #tpu.memory_space<hbm>>
      tpu.enqueue_dma source(%dma_start3A_113 : memref<157x128xi32, #tpu.memory_space<hbm>>) target(%arg8 : memref<157x128xi32, #tpu.memory_space<vmem>>) target_semaphore(%run_scoped3A : memref<!tpu.dma_semaphore, #tpu.memory_space<semaphore_mem>>)
      %dma_wait3A_114 = arith.constant 0 : i32
      %dma_wait3A_115 = arith.constant 0 : i32
      %dma_wait3A_116 = tpu.memref_slice %arg4[%arg1, %dma_wait3A_114, %dma_wait3A_115] : memref<16x157x128xi32, #tpu.memory_space<hbm>> -> memref<1x157x128xi32, #tpu.memory_space<hbm>>
      %dma_wait3A_117 = tpu.memref_squeeze %dma_wait3A_116 : memref<1x157x128xi32, #tpu.memory_space<hbm>> -> memref<157x128xi32, #tpu.memory_space<hbm>>
      %dma_wait3A_118 = arith.constant 0 : i32
      %dma_wait3A_119 = arith.constant 0 : i32
      %dma_wait3A_120 = tpu.memref_slice %arg4[%arg1, %dma_wait3A_118, %dma_wait3A_119] : memref<16x157x128xi32, #tpu.memory_space<hbm>> -> memref<1x157x128xi32, #tpu.memory_space<hbm>>
      %dma_wait3A_121 = tpu.memref_squeeze %dma_wait3A_120 : memref<1x157x128xi32, #tpu.memory_space<hbm>> -> memref<157x128xi32, #tpu.memory_space<hbm>>
      tpu.wait_dma2 semaphore(%run_scoped3A : memref<!tpu.dma_semaphore, #tpu.memory_space<semaphore_mem>>) src(%dma_wait3A_121 : memref<157x128xi32, #tpu.memory_space<hbm>>) dst(%arg8 : memref<157x128xi32, #tpu.memory_space<vmem>>)
      tpu.yield
    }) : () -> ()
    %barrier3A = arith.constant 0 : index
    tpu.barrier barrier_id(%barrier3A)
    %sub3A = arith.constant 79 : i32
    %sub3A_1 = arith.subi %sub3A, %arg0 : i32
    %add3A = arith.constant 0 : i32
    %add3A_2 = arith.addi %add3A, %arg0 : i32
    %dma_start3A = arith.constant 0 : i32
    %dma_start3A_3 = arith.constant 0 : i32
    %dma_start3A_4 = arith.constant 0 : i32
    %dma_start3A_5 = tpu.memref_slice %arg9[%dma_start3A, %dma_start3A_3, %dma_start3A_4] : memref<6x128x16xf32, #tpu.memory_space<vmem>> -> memref<1x128x16xf32, #tpu.memory_space<vmem>>
    %dma_start3A_6 = tpu.memref_squeeze %dma_start3A_5 : memref<1x128x16xf32, #tpu.memory_space<vmem>> -> memref<128x16xf32, #tpu.memory_space<vmem>>
    %dma_start3A_7 = arith.constant 0 : i32
    %dma_start3A_8 = tpu.memref_slice %arg7[%add3A_2, %dma_start3A_7] : memref<157x128xi32, #tpu.memory_space<vmem>> -> memref<1x128xi32, #tpu.memory_space<vmem>>
    %dma_start3A_9 = tpu.memref_squeeze %dma_start3A_8 : memref<1x128xi32, #tpu.memory_space<vmem>> -> memref<128xi32, #tpu.memory_space<vmem>>
    %dma_start3A_10 = arith.constant 0 : i32
    %dma_start3A_11 = arith.constant 0 : i32
    %dma_start3A_12 = tpu.memref_slice %arg2[%dma_start3A_10, %dma_start3A_11] : memref<10000x16xf32, #tpu.memory_space<hbm>> -> memref<10000x16xf32, #tpu.memory_space<hbm>>
    tpu.enqueue_indirect_dma source(%dma_start3A_12 : memref<10000x16xf32, #tpu.memory_space<hbm>>) target(%dma_start3A_6 : memref<128x16xf32, #tpu.memory_space<vmem>>) offsets(%dma_start3A_9 : memref<128xi32, #tpu.memory_space<vmem>>) semaphore(%arg11 : memref<!tpu.dma_semaphore, #tpu.memory_space<semaphore_mem>>)
    %add3A_13 = arith.constant 2 : i32
    %add3A_14 = arith.addi %add3A_13, %arg0 : i32
    %dma_start3A_15 = arith.constant 1 : i32
    %dma_start3A_16 = arith.constant 0 : i32
    %dma_start3A_17 = arith.constant 0 : i32
    %dma_start3A_18 = tpu.memref_slice %arg9[%dma_start3A_15, %dma_start3A_16, %dma_start3A_17] : memref<6x128x16xf32, #tpu.memory_space<vmem>> -> memref<1x128x16xf32, #tpu.memory_space<vmem>>
    %dma_start3A_19 = tpu.memref_squeeze %dma_start3A_18 : memref<1x128x16xf32, #tpu.memory_space<vmem>> -> memref<128x16xf32, #tpu.memory_space<vmem>>
    %dma_start3A_20 = arith.constant 0 : i32
    %dma_start3A_21 = tpu.memref_slice %arg7[%add3A_14, %dma_start3A_20] : memref<157x128xi32, #tpu.memory_space<vmem>> -> memref<1x128xi32, #tpu.memory_space<vmem>>
    %dma_start3A_22 = tpu.memref_squeeze %dma_start3A_21 : memref<1x128xi32, #tpu.memory_space<vmem>> -> memref<128xi32, #tpu.memory_space<vmem>>
    %dma_start3A_23 = arith.constant 0 : i32
    %dma_start3A_24 = arith.constant 0 : i32
    %dma_start3A_25 = tpu.memref_slice %arg2[%dma_start3A_23, %dma_start3A_24] : memref<10000x16xf32, #tpu.memory_space<hbm>> -> memref<10000x16xf32, #tpu.memory_space<hbm>>
    tpu.enqueue_indirect_dma source(%dma_start3A_25 : memref<10000x16xf32, #tpu.memory_space<hbm>>) target(%dma_start3A_19 : memref<128x16xf32, #tpu.memory_space<vmem>>) offsets(%dma_start3A_22 : memref<128xi32, #tpu.memory_space<vmem>>) semaphore(%arg11 : memref<!tpu.dma_semaphore, #tpu.memory_space<semaphore_mem>>)
    %add3A_26 = arith.constant 4 : i32
    %add3A_27 = arith.addi %add3A_26, %arg0 : i32
    %dma_start3A_28 = arith.constant 2 : i32
    %dma_start3A_29 = arith.constant 0 : i32
    %dma_start3A_30 = arith.constant 0 : i32
    %dma_start3A_31 = tpu.memref_slice %arg9[%dma_start3A_28, %dma_start3A_29, %dma_start3A_30] : memref<6x128x16xf32, #tpu.memory_space<vmem>> -> memref<1x128x16xf32, #tpu.memory_space<vmem>>
    %dma_start3A_32 = tpu.memref_squeeze %dma_start3A_31 : memref<1x128x16xf32, #tpu.memory_space<vmem>> -> memref<128x16xf32, #tpu.memory_space<vmem>>
    %dma_start3A_33 = arith.constant 0 : i32
    %dma_start3A_34 = tpu.memref_slice %arg7[%add3A_27, %dma_start3A_33] : memref<157x128xi32, #tpu.memory_space<vmem>> -> memref<1x128xi32, #tpu.memory_space<vmem>>
    %dma_start3A_35 = tpu.memref_squeeze %dma_start3A_34 : memref<1x128xi32, #tpu.memory_space<vmem>> -> memref<128xi32, #tpu.memory_space<vmem>>
    %dma_start3A_36 = arith.constant 0 : i32
    %dma_start3A_37 = arith.constant 0 : i32
    %dma_start3A_38 = tpu.memref_slice %arg2[%dma_start3A_36, %dma_start3A_37] : memref<10000x16xf32, #tpu.memory_space<hbm>> -> memref<10000x16xf32, #tpu.memory_space<hbm>>
    tpu.enqueue_indirect_dma source(%dma_start3A_38 : memref<10000x16xf32, #tpu.memory_space<hbm>>) target(%dma_start3A_32 : memref<128x16xf32, #tpu.memory_space<vmem>>) offsets(%dma_start3A_35 : memref<128xi32, #tpu.memory_space<vmem>>) semaphore(%arg11 : memref<!tpu.dma_semaphore, #tpu.memory_space<semaphore_mem>>)
    %while3A = arith.constant 0 : i32
    %while3A_39 = arith.constant 0 : i32
    %while3A_40 = arith.subi %sub3A_1, %while3A_39 : i32
    %while3A_41 = arith.addi %while3A_39, %while3A_40 : i32
    %while3A_42 = arith.constant 1 : i32
    %while3A_43 = arith.divsi %while3A_40, %while3A_42 : i32
    %while3A_44 = arith.muli %while3A_43, %while3A_42 : i32
    %while3A_45 = arith.addi %while3A_39, %while3A_44 : i32
    %while3A_46 = arith.constant 1 : i32
    scf.for %while3A_106 = %while3A_39 to %while3A_45 step %while3A_46  : i32 {
      %mul3A_107 = arith.constant 2 : i32
      %mul3A_108 = arith.muli %mul3A_107, %while3A_106 : i32
      %add3A_109 = arith.addi %mul3A_108, %arg0 : i32
      %jit3A = arith.constant 6 : i32
      %eq3A = arith.constant 0 : i32
      %eq3A_110 = arith.cmpi eq, %jit3A, %eq3A : i32
      %jit3A_111 = arith.constant 1 : i32
      %select_n3A = arith.select %eq3A_110, %jit3A_111, %jit3A : i32
      %rem3A_112 = arith.remsi %while3A_106, %select_n3A : i32
      %ne3A = arith.constant 0 : i32
      %ne3A_113 = arith.cmpi ne, %rem3A_112, %ne3A : i32
      %lt3A = arith.constant 0 : i32
      %lt3A_114 = arith.cmpi slt, %rem3A_112, %lt3A : i32
      %lt3A_115 = arith.constant 0 : i32
      %lt3A_116 = arith.cmpi slt, %select_n3A, %lt3A_115 : i32
      %ne3A_117 = arith.xori %lt3A_114, %lt3A_116 : i1
      %and3A = arith.andi %ne3A_117, %ne3A_113 : i1
      %add3A_118 = arith.addi %rem3A_112, %select_n3A : i32
      %select_n3A_119 = arith.select %and3A, %add3A_118, %rem3A_112 : i32
      %dma_wait3A_120 = arith.constant 0 : i32
      %dma_wait3A_121 = arith.constant 0 : i32
      %dma_wait3A_122 = tpu.memref_slice %arg9[%select_n3A_119, %dma_wait3A_120, %dma_wait3A_121] : memref<6x128x16xf32, #tpu.memory_space<vmem>> -> memref<1x128x16xf32, #tpu.memory_space<vmem>>
      %dma_wait3A_123 = tpu.memref_squeeze %dma_wait3A_122 : memref<1x128x16xf32, #tpu.memory_space<vmem>> -> memref<128x16xf32, #tpu.memory_space<vmem>>
      %dma_wait3A_124 = arith.constant 0 : i32
      %dma_wait3A_125 = tpu.memref_slice %arg7[%add3A_109, %dma_wait3A_124] : memref<157x128xi32, #tpu.memory_space<vmem>> -> memref<1x128xi32, #tpu.memory_space<vmem>>
      %dma_wait3A_126 = tpu.memref_squeeze %dma_wait3A_125 : memref<1x128xi32, #tpu.memory_space<vmem>> -> memref<128xi32, #tpu.memory_space<vmem>>
      %dma_wait3A_127 = arith.constant 0 : i32
      %dma_wait3A_128 = arith.constant 0 : i32
      %dma_wait3A_129 = tpu.memref_slice %arg2[%dma_wait3A_127, %dma_wait3A_128] : memref<10000x16xf32, #tpu.memory_space<hbm>> -> memref<10000x16xf32, #tpu.memory_space<hbm>>
      tpu.wait_indirect_dma semaphore(%arg11 : memref<!tpu.dma_semaphore, #tpu.memory_space<semaphore_mem>>) src(%dma_wait3A_129 : memref<10000x16xf32, #tpu.memory_space<hbm>>) dst(%dma_wait3A_123 : memref<128x16xf32, #tpu.memory_space<vmem>>)
      %ge3A = arith.constant 3 : i32
      %ge3A_130 = arith.cmpi sge, %while3A_106, %ge3A : i32
      %convert_element_type3A = arith.extui %ge3A_130 : i1 to i32
      %cond3A = arith.constant 0 : i32
      %cond3A_131 = arith.cmpi ne, %convert_element_type3A, %cond3A : i32
      scf.if %cond3A_131 {
        %sub3A_164 = arith.constant 3 : i32
        %sub3A_165 = arith.subi %while3A_106, %sub3A_164 : i32
        %jit3A_166 = arith.constant 6 : i32
        %eq3A_167 = arith.constant 0 : i32
        %eq3A_168 = arith.cmpi eq, %jit3A_166, %eq3A_167 : i32
        %jit3A_169 = arith.constant 1 : i32
        %select_n3A_170 = arith.select %eq3A_168, %jit3A_169, %jit3A_166 : i32
        %rem3A_171 = arith.remsi %sub3A_165, %select_n3A_170 : i32
        %ne3A_172 = arith.constant 0 : i32
        %ne3A_173 = arith.cmpi ne, %rem3A_171, %ne3A_172 : i32
        %lt3A_174 = arith.constant 0 : i32
        %lt3A_175 = arith.cmpi slt, %rem3A_171, %lt3A_174 : i32
        %lt3A_176 = arith.constant 0 : i32
        %lt3A_177 = arith.cmpi slt, %select_n3A_170, %lt3A_176 : i32
        %ne3A_178 = arith.xori %lt3A_175, %lt3A_177 : i1
        %and3A_179 = arith.andi %ne3A_178, %ne3A_173 : i1
        %add3A_180 = arith.addi %rem3A_171, %select_n3A_170 : i32
        %select_n3A_181 = arith.select %and3A_179, %add3A_180, %rem3A_171 : i32
        %sub3A_182 = arith.constant 6 : i32
        %sub3A_183 = arith.subi %add3A_109, %sub3A_182 : i32
        %dma_wait3A_184 = arith.constant 0 : i32
        %dma_wait3A_185 = arith.constant 0 : i32
        %dma_wait3A_186 = tpu.memref_slice %arg9[%select_n3A_181, %dma_wait3A_184, %dma_wait3A_185] : memref<6x128x16xf32, #tpu.memory_space<vmem>> -> memref<1x128x16xf32, #tpu.memory_space<vmem>>
        %dma_wait3A_187 = tpu.memref_squeeze %dma_wait3A_186 : memref<1x128x16xf32, #tpu.memory_space<vmem>> -> memref<128x16xf32, #tpu.memory_space<vmem>>
        %dma_wait3A_188 = arith.constant 0 : i32
        %dma_wait3A_189 = tpu.memref_slice %arg8[%sub3A_183, %dma_wait3A_188] : memref<157x128xi32, #tpu.memory_space<vmem>> -> memref<1x128xi32, #tpu.memory_space<vmem>>
        %dma_wait3A_190 = tpu.memref_squeeze %dma_wait3A_189 : memref<1x128xi32, #tpu.memory_space<vmem>> -> memref<128xi32, #tpu.memory_space<vmem>>
        %dma_wait3A_191 = arith.constant 0 : i32
        %dma_wait3A_192 = arith.constant 0 : i32
        %dma_wait3A_193 = tpu.memref_slice %arg10[%dma_wait3A_191, %dma_wait3A_192] : memref<10240x16xf32, #tpu.memory_space<vmem_shared>> -> memref<10240x16xf32, #tpu.memory_space<vmem_shared>>
        tpu.wait_indirect_dma semaphore(%arg12 : memref<!tpu.dma_semaphore, #tpu.memory_space<semaphore_mem>>) src(%dma_wait3A_187 : memref<128x16xf32, #tpu.memory_space<vmem>>) dst(%dma_wait3A_193 : memref<10240x16xf32, #tpu.memory_space<vmem_shared>>)
      } else {
      }
      %add3A_132 = arith.constant 3 : i32
      %add3A_133 = arith.addi %while3A_106, %add3A_132 : i32
      %lt3A_134 = arith.cmpi slt, %add3A_133, %sub3A_1 : i32
      %convert_element_type3A_135 = arith.extui %lt3A_134 : i1 to i32
      %cond3A_136 = arith.constant 0 : i32
      %cond3A_137 = arith.cmpi ne, %convert_element_type3A_135, %cond3A_136 : i32
      scf.if %cond3A_137 {
        %add3A_164 = arith.constant 6 : i32
        %add3A_165 = arith.addi %add3A_109, %add3A_164 : i32
        %add3A_166 = arith.constant 3 : i32
        %add3A_167 = arith.addi %while3A_106, %add3A_166 : i32
        %jit3A_168 = arith.constant 6 : i32
        %eq3A_169 = arith.constant 0 : i32
        %eq3A_170 = arith.cmpi eq, %jit3A_168, %eq3A_169 : i32
        %jit3A_171 = arith.constant 1 : i32
        %select_n3A_172 = arith.select %eq3A_170, %jit3A_171, %jit3A_168 : i32
        %rem3A_173 = arith.remsi %add3A_167, %select_n3A_172 : i32
        %ne3A_174 = arith.constant 0 : i32
        %ne3A_175 = arith.cmpi ne, %rem3A_173, %ne3A_174 : i32
        %lt3A_176 = arith.constant 0 : i32
        %lt3A_177 = arith.cmpi slt, %rem3A_173, %lt3A_176 : i32
        %lt3A_178 = arith.constant 0 : i32
        %lt3A_179 = arith.cmpi slt, %select_n3A_172, %lt3A_178 : i32
        %ne3A_180 = arith.xori %lt3A_177, %lt3A_179 : i1
        %and3A_181 = arith.andi %ne3A_180, %ne3A_175 : i1
        %add3A_182 = arith.addi %rem3A_173, %select_n3A_172 : i32
        %select_n3A_183 = arith.select %and3A_181, %add3A_182, %rem3A_173 : i32
        %dma_start3A_184 = arith.constant 0 : i32
        %dma_start3A_185 = arith.constant 0 : i32
        %dma_start3A_186 = tpu.memref_slice %arg9[%select_n3A_183, %dma_start3A_184, %dma_start3A_185] : memref<6x128x16xf32, #tpu.memory_space<vmem>> -> memref<1x128x16xf32, #tpu.memory_space<vmem>>
        %dma_start3A_187 = tpu.memref_squeeze %dma_start3A_186 : memref<1x128x16xf32, #tpu.memory_space<vmem>> -> memref<128x16xf32, #tpu.memory_space<vmem>>
        %dma_start3A_188 = arith.constant 0 : i32
        %dma_start3A_189 = tpu.memref_slice %arg7[%add3A_165, %dma_start3A_188] : memref<157x128xi32, #tpu.memory_space<vmem>> -> memref<1x128xi32, #tpu.memory_space<vmem>>
        %dma_start3A_190 = tpu.memref_squeeze %dma_start3A_189 : memref<1x128xi32, #tpu.memory_space<vmem>> -> memref<128xi32, #tpu.memory_space<vmem>>
        %dma_start3A_191 = arith.constant 0 : i32
        %dma_start3A_192 = arith.constant 0 : i32
        %dma_start3A_193 = tpu.memref_slice %arg2[%dma_start3A_191, %dma_start3A_192] : memref<10000x16xf32, #tpu.memory_space<hbm>> -> memref<10000x16xf32, #tpu.memory_space<hbm>>
        tpu.enqueue_indirect_dma source(%dma_start3A_193 : memref<10000x16xf32, #tpu.memory_space<hbm>>) target(%dma_start3A_187 : memref<128x16xf32, #tpu.memory_space<vmem>>) offsets(%dma_start3A_190 : memref<128xi32, #tpu.memory_space<vmem>>) semaphore(%arg11 : memref<!tpu.dma_semaphore, #tpu.memory_space<semaphore_mem>>)
      } else {
      }
      %jit3A_138 = arith.constant 6 : i32
      %eq3A_139 = arith.constant 0 : i32
      %eq3A_140 = arith.cmpi eq, %jit3A_138, %eq3A_139 : i32
      %jit3A_141 = arith.constant 1 : i32
      %select_n3A_142 = arith.select %eq3A_140, %jit3A_141, %jit3A_138 : i32
      %rem3A_143 = arith.remsi %while3A_106, %select_n3A_142 : i32
      %ne3A_144 = arith.constant 0 : i32
      %ne3A_145 = arith.cmpi ne, %rem3A_143, %ne3A_144 : i32
      %lt3A_146 = arith.constant 0 : i32
      %lt3A_147 = arith.cmpi slt, %rem3A_143, %lt3A_146 : i32
      %lt3A_148 = arith.constant 0 : i32
      %lt3A_149 = arith.cmpi slt, %select_n3A_142, %lt3A_148 : i32
      %ne3A_150 = arith.xori %lt3A_147, %lt3A_149 : i1
      %and3A_151 = arith.andi %ne3A_150, %ne3A_145 : i1
      %add3A_152 = arith.addi %rem3A_143, %select_n3A_142 : i32
      %select_n3A_153 = arith.select %and3A_151, %add3A_152, %rem3A_143 : i32
      %dma_start3A_154 = arith.constant 0 : i32
      %dma_start3A_155 = arith.constant 0 : i32
      %dma_start3A_156 = tpu.memref_slice %arg9[%select_n3A_153, %dma_start3A_154, %dma_start3A_155] : memref<6x128x16xf32, #tpu.memory_space<vmem>> -> memref<1x128x16xf32, #tpu.memory_space<vmem>>
      %dma_start3A_157 = tpu.memref_squeeze %dma_start3A_156 : memref<1x128x16xf32, #tpu.memory_space<vmem>> -> memref<128x16xf32, #tpu.memory_space<vmem>>
      %dma_start3A_158 = arith.constant 0 : i32
      %dma_start3A_159 = tpu.memref_slice %arg8[%add3A_109, %dma_start3A_158] : memref<157x128xi32, #tpu.memory_space<vmem>> -> memref<1x128xi32, #tpu.memory_space<vmem>>
      %dma_start3A_160 = tpu.memref_squeeze %dma_start3A_159 : memref<1x128xi32, #tpu.memory_space<vmem>> -> memref<128xi32, #tpu.memory_space<vmem>>
      %dma_start3A_161 = arith.constant 0 : i32
      %dma_start3A_162 = arith.constant 0 : i32
      %dma_start3A_163 = tpu.memref_slice %arg10[%dma_start3A_161, %dma_start3A_162] : memref<10240x16xf32, #tpu.memory_space<vmem_shared>> -> memref<10240x16xf32, #tpu.memory_space<vmem_shared>>
      tpu.enqueue_indirect_dma source(%dma_start3A_157 : memref<128x16xf32, #tpu.memory_space<vmem>>) target(%dma_start3A_163 : memref<10240x16xf32, #tpu.memory_space<vmem_shared>>) offsets(%dma_start3A_160 : memref<128xi32, #tpu.memory_space<vmem>>) semaphore(%arg12 : memref<!tpu.dma_semaphore, #tpu.memory_space<semaphore_mem>>) {add = true}
    }
    %while3A_47 = arith.constant 1 : i32
    scf.for %while3A_106 = %while3A_45 to %while3A_41 step %while3A_47  : i32 {
      %mul3A_107 = arith.constant 2 : i32
      %mul3A_108 = arith.muli %mul3A_107, %while3A_106 : i32
      %add3A_109 = arith.addi %mul3A_108, %arg0 : i32
      %jit3A = arith.constant 6 : i32
      %eq3A = arith.constant 0 : i32
      %eq3A_110 = arith.cmpi eq, %jit3A, %eq3A : i32
      %jit3A_111 = arith.constant 1 : i32
      %select_n3A = arith.select %eq3A_110, %jit3A_111, %jit3A : i32
      %rem3A_112 = arith.remsi %while3A_106, %select_n3A : i32
      %ne3A = arith.constant 0 : i32
      %ne3A_113 = arith.cmpi ne, %rem3A_112, %ne3A : i32
      %lt3A = arith.constant 0 : i32
      %lt3A_114 = arith.cmpi slt, %rem3A_112, %lt3A : i32
      %lt3A_115 = arith.constant 0 : i32
      %lt3A_116 = arith.cmpi slt, %select_n3A, %lt3A_115 : i32
      %ne3A_117 = arith.xori %lt3A_114, %lt3A_116 : i1
      %and3A = arith.andi %ne3A_117, %ne3A_113 : i1
      %add3A_118 = arith.addi %rem3A_112, %select_n3A : i32
      %select_n3A_119 = arith.select %and3A, %add3A_118, %rem3A_112 : i32
      %dma_wait3A_120 = arith.constant 0 : i32
      %dma_wait3A_121 = arith.constant 0 : i32
      %dma_wait3A_122 = tpu.memref_slice %arg9[%select_n3A_119, %dma_wait3A_120, %dma_wait3A_121] : memref<6x128x16xf32, #tpu.memory_space<vmem>> -> memref<1x128x16xf32, #tpu.memory_space<vmem>>
      %dma_wait3A_123 = tpu.memref_squeeze %dma_wait3A_122 : memref<1x128x16xf32, #tpu.memory_space<vmem>> -> memref<128x16xf32, #tpu.memory_space<vmem>>
      %dma_wait3A_124 = arith.constant 0 : i32
      %dma_wait3A_125 = tpu.memref_slice %arg7[%add3A_109, %dma_wait3A_124] : memref<157x128xi32, #tpu.memory_space<vmem>> -> memref<1x128xi32, #tpu.memory_space<vmem>>
      %dma_wait3A_126 = tpu.memref_squeeze %dma_wait3A_125 : memref<1x128xi32, #tpu.memory_space<vmem>> -> memref<128xi32, #tpu.memory_space<vmem>>
      %dma_wait3A_127 = arith.constant 0 : i32
      %dma_wait3A_128 = arith.constant 0 : i32
      %dma_wait3A_129 = tpu.memref_slice %arg2[%dma_wait3A_127, %dma_wait3A_128] : memref<10000x16xf32, #tpu.memory_space<hbm>> -> memref<10000x16xf32, #tpu.memory_space<hbm>>
      tpu.wait_indirect_dma semaphore(%arg11 : memref<!tpu.dma_semaphore, #tpu.memory_space<semaphore_mem>>) src(%dma_wait3A_129 : memref<10000x16xf32, #tpu.memory_space<hbm>>) dst(%dma_wait3A_123 : memref<128x16xf32, #tpu.memory_space<vmem>>)
      %ge3A = arith.constant 3 : i32
      %ge3A_130 = arith.cmpi sge, %while3A_106, %ge3A : i32
      %convert_element_type3A = arith.extui %ge3A_130 : i1 to i32
      %cond3A = arith.constant 0 : i32
      %cond3A_131 = arith.cmpi ne, %convert_element_type3A, %cond3A : i32
      scf.if %cond3A_131 {
        %sub3A_164 = arith.constant 3 : i32
        %sub3A_165 = arith.subi %while3A_106, %sub3A_164 : i32
        %jit3A_166 = arith.constant 6 : i32
        %eq3A_167 = arith.constant 0 : i32
        %eq3A_168 = arith.cmpi eq, %jit3A_166, %eq3A_167 : i32
        %jit3A_169 = arith.constant 1 : i32
        %select_n3A_170 = arith.select %eq3A_168, %jit3A_169, %jit3A_166 : i32
        %rem3A_171 = arith.remsi %sub3A_165, %select_n3A_170 : i32
        %ne3A_172 = arith.constant 0 : i32
        %ne3A_173 = arith.cmpi ne, %rem3A_171, %ne3A_172 : i32
        %lt3A_174 = arith.constant 0 : i32
        %lt3A_175 = arith.cmpi slt, %rem3A_171, %lt3A_174 : i32
        %lt3A_176 = arith.constant 0 : i32
        %lt3A_177 = arith.cmpi slt, %select_n3A_170, %lt3A_176 : i32
        %ne3A_178 = arith.xori %lt3A_175, %lt3A_177 : i1
        %and3A_179 = arith.andi %ne3A_178, %ne3A_173 : i1
        %add3A_180 = arith.addi %rem3A_171, %select_n3A_170 : i32
        %select_n3A_181 = arith.select %and3A_179, %add3A_180, %rem3A_171 : i32
        %sub3A_182 = arith.constant 6 : i32
        %sub3A_183 = arith.subi %add3A_109, %sub3A_182 : i32
        %dma_wait3A_184 = arith.constant 0 : i32
        %dma_wait3A_185 = arith.constant 0 : i32
        %dma_wait3A_186 = tpu.memref_slice %arg9[%select_n3A_181, %dma_wait3A_184, %dma_wait3A_185] : memref<6x128x16xf32, #tpu.memory_space<vmem>> -> memref<1x128x16xf32, #tpu.memory_space<vmem>>
        %dma_wait3A_187 = tpu.memref_squeeze %dma_wait3A_186 : memref<1x128x16xf32, #tpu.memory_space<vmem>> -> memref<128x16xf32, #tpu.memory_space<vmem>>
        %dma_wait3A_188 = arith.constant 0 : i32
        %dma_wait3A_189 = tpu.memref_slice %arg8[%sub3A_183, %dma_wait3A_188] : memref<157x128xi32, #tpu.memory_space<vmem>> -> memref<1x128xi32, #tpu.memory_space<vmem>>
        %dma_wait3A_190 = tpu.memref_squeeze %dma_wait3A_189 : memref<1x128xi32, #tpu.memory_space<vmem>> -> memref<128xi32, #tpu.memory_space<vmem>>
        %dma_wait3A_191 = arith.constant 0 : i32
        %dma_wait3A_192 = arith.constant 0 : i32
        %dma_wait3A_193 = tpu.memref_slice %arg10[%dma_wait3A_191, %dma_wait3A_192] : memref<10240x16xf32, #tpu.memory_space<vmem_shared>> -> memref<10240x16xf32, #tpu.memory_space<vmem_shared>>
        tpu.wait_indirect_dma semaphore(%arg12 : memref<!tpu.dma_semaphore, #tpu.memory_space<semaphore_mem>>) src(%dma_wait3A_187 : memref<128x16xf32, #tpu.memory_space<vmem>>) dst(%dma_wait3A_193 : memref<10240x16xf32, #tpu.memory_space<vmem_shared>>)
      } else {
      }
      %add3A_132 = arith.constant 3 : i32
      %add3A_133 = arith.addi %while3A_106, %add3A_132 : i32
      %lt3A_134 = arith.cmpi slt, %add3A_133, %sub3A_1 : i32
      %convert_element_type3A_135 = arith.extui %lt3A_134 : i1 to i32
      %cond3A_136 = arith.constant 0 : i32
      %cond3A_137 = arith.cmpi ne, %convert_element_type3A_135, %cond3A_136 : i32
      scf.if %cond3A_137 {
        %add3A_164 = arith.constant 6 : i32
        %add3A_165 = arith.addi %add3A_109, %add3A_164 : i32
        %add3A_166 = arith.constant 3 : i32
        %add3A_167 = arith.addi %while3A_106, %add3A_166 : i32
        %jit3A_168 = arith.constant 6 : i32
        %eq3A_169 = arith.constant 0 : i32
        %eq3A_170 = arith.cmpi eq, %jit3A_168, %eq3A_169 : i32
        %jit3A_171 = arith.constant 1 : i32
        %select_n3A_172 = arith.select %eq3A_170, %jit3A_171, %jit3A_168 : i32
        %rem3A_173 = arith.remsi %add3A_167, %select_n3A_172 : i32
        %ne3A_174 = arith.constant 0 : i32
        %ne3A_175 = arith.cmpi ne, %rem3A_173, %ne3A_174 : i32
        %lt3A_176 = arith.constant 0 : i32
        %lt3A_177 = arith.cmpi slt, %rem3A_173, %lt3A_176 : i32
        %lt3A_178 = arith.constant 0 : i32
        %lt3A_179 = arith.cmpi slt, %select_n3A_172, %lt3A_178 : i32
        %ne3A_180 = arith.xori %lt3A_177, %lt3A_179 : i1
        %and3A_181 = arith.andi %ne3A_180, %ne3A_175 : i1
        %add3A_182 = arith.addi %rem3A_173, %select_n3A_172 : i32
        %select_n3A_183 = arith.select %and3A_181, %add3A_182, %rem3A_173 : i32
        %dma_start3A_184 = arith.constant 0 : i32
        %dma_start3A_185 = arith.constant 0 : i32
        %dma_start3A_186 = tpu.memref_slice %arg9[%select_n3A_183, %dma_start3A_184, %dma_start3A_185] : memref<6x128x16xf32, #tpu.memory_space<vmem>> -> memref<1x128x16xf32, #tpu.memory_space<vmem>>
        %dma_start3A_187 = tpu.memref_squeeze %dma_start3A_186 : memref<1x128x16xf32, #tpu.memory_space<vmem>> -> memref<128x16xf32, #tpu.memory_space<vmem>>
        %dma_start3A_188 = arith.constant 0 : i32
        %dma_start3A_189 = tpu.memref_slice %arg7[%add3A_165, %dma_start3A_188] : memref<157x128xi32, #tpu.memory_space<vmem>> -> memref<1x128xi32, #tpu.memory_space<vmem>>
        %dma_start3A_190 = tpu.memref_squeeze %dma_start3A_189 : memref<1x128xi32, #tpu.memory_space<vmem>> -> memref<128xi32, #tpu.memory_space<vmem>>
        %dma_start3A_191 = arith.constant 0 : i32
        %dma_start3A_192 = arith.constant 0 : i32
        %dma_start3A_193 = tpu.memref_slice %arg2[%dma_start3A_191, %dma_start3A_192] : memref<10000x16xf32, #tpu.memory_space<hbm>> -> memref<10000x16xf32, #tpu.memory_space<hbm>>
        tpu.enqueue_indirect_dma source(%dma_start3A_193 : memref<10000x16xf32, #tpu.memory_space<hbm>>) target(%dma_start3A_187 : memref<128x16xf32, #tpu.memory_space<vmem>>) offsets(%dma_start3A_190 : memref<128xi32, #tpu.memory_space<vmem>>) semaphore(%arg11 : memref<!tpu.dma_semaphore, #tpu.memory_space<semaphore_mem>>)
      } else {
      }
      %jit3A_138 = arith.constant 6 : i32
      %eq3A_139 = arith.constant 0 : i32
      %eq3A_140 = arith.cmpi eq, %jit3A_138, %eq3A_139 : i32
      %jit3A_141 = arith.constant 1 : i32
      %select_n3A_142 = arith.select %eq3A_140, %jit3A_141, %jit3A_138 : i32
      %rem3A_143 = arith.remsi %while3A_106, %select_n3A_142 : i32
      %ne3A_144 = arith.constant 0 : i32
      %ne3A_145 = arith.cmpi ne, %rem3A_143, %ne3A_144 : i32
      %lt3A_146 = arith.constant 0 : i32
      %lt3A_147 = arith.cmpi slt, %rem3A_143, %lt3A_146 : i32
      %lt3A_148 = arith.constant 0 : i32
      %lt3A_149 = arith.cmpi slt, %select_n3A_142, %lt3A_148 : i32
      %ne3A_150 = arith.xori %lt3A_147, %lt3A_149 : i1
      %and3A_151 = arith.andi %ne3A_150, %ne3A_145 : i1
      %add3A_152 = arith.addi %rem3A_143, %select_n3A_142 : i32
      %select_n3A_153 = arith.select %and3A_151, %add3A_152, %rem3A_143 : i32
      %dma_start3A_154 = arith.constant 0 : i32
      %dma_start3A_155 = arith.constant 0 : i32
      %dma_start3A_156 = tpu.memref_slice %arg9[%select_n3A_153, %dma_start3A_154, %dma_start3A_155] : memref<6x128x16xf32, #tpu.memory_space<vmem>> -> memref<1x128x16xf32, #tpu.memory_space<vmem>>
      %dma_start3A_157 = tpu.memref_squeeze %dma_start3A_156 : memref<1x128x16xf32, #tpu.memory_space<vmem>> -> memref<128x16xf32, #tpu.memory_space<vmem>>
      %dma_start3A_158 = arith.constant 0 : i32
      %dma_start3A_159 = tpu.memref_slice %arg8[%add3A_109, %dma_start3A_158] : memref<157x128xi32, #tpu.memory_space<vmem>> -> memref<1x128xi32, #tpu.memory_space<vmem>>
      %dma_start3A_160 = tpu.memref_squeeze %dma_start3A_159 : memref<1x128xi32, #tpu.memory_space<vmem>> -> memref<128xi32, #tpu.memory_space<vmem>>
      %dma_start3A_161 = arith.constant 0 : i32
      %dma_start3A_162 = arith.constant 0 : i32
      %dma_start3A_163 = tpu.memref_slice %arg10[%dma_start3A_161, %dma_start3A_162] : memref<10240x16xf32, #tpu.memory_space<vmem_shared>> -> memref<10240x16xf32, #tpu.memory_space<vmem_shared>>
      tpu.enqueue_indirect_dma source(%dma_start3A_157 : memref<128x16xf32, #tpu.memory_space<vmem>>) target(%dma_start3A_163 : memref<10240x16xf32, #tpu.memory_space<vmem_shared>>) offsets(%dma_start3A_160 : memref<128xi32, #tpu.memory_space<vmem>>) semaphore(%arg12 : memref<!tpu.dma_semaphore, #tpu.memory_space<semaphore_mem>>) {add = true}
    }
    %sub3A_48 = arith.constant 3 : i32
    %sub3A_49 = arith.subi %sub3A_1, %sub3A_48 : i32
    %add3A_50 = arith.constant 0 : i32
    %add3A_51 = arith.addi %sub3A_49, %add3A_50 : i32
    %rem3A = arith.constant 6 : i32
    %rem3A_52 = arith.remsi %add3A_51, %rem3A : i32
    %mul3A_53 = arith.constant 2 : i32
    %mul3A_54 = arith.muli %mul3A_53, %add3A_51 : i32
    %add3A_55 = arith.addi %mul3A_54, %arg0 : i32
    %dma_wait3A = arith.constant 0 : i32
    %dma_wait3A_56 = arith.constant 0 : i32
    %dma_wait3A_57 = tpu.memref_slice %arg9[%rem3A_52, %dma_wait3A, %dma_wait3A_56] : memref<6x128x16xf32, #tpu.memory_space<vmem>> -> memref<1x128x16xf32, #tpu.memory_space<vmem>>
    %dma_wait3A_58 = tpu.memref_squeeze %dma_wait3A_57 : memref<1x128x16xf32, #tpu.memory_space<vmem>> -> memref<128x16xf32, #tpu.memory_space<vmem>>
    %dma_wait3A_59 = arith.constant 0 : i32
    %dma_wait3A_60 = tpu.memref_slice %arg8[%add3A_55, %dma_wait3A_59] : memref<157x128xi32, #tpu.memory_space<vmem>> -> memref<1x128xi32, #tpu.memory_space<vmem>>
    %dma_wait3A_61 = tpu.memref_squeeze %dma_wait3A_60 : memref<1x128xi32, #tpu.memory_space<vmem>> -> memref<128xi32, #tpu.memory_space<vmem>>
    %dma_wait3A_62 = arith.constant 0 : i32
    %dma_wait3A_63 = arith.constant 0 : i32
    %dma_wait3A_64 = tpu.memref_slice %arg10[%dma_wait3A_62, %dma_wait3A_63] : memref<10240x16xf32, #tpu.memory_space<vmem_shared>> -> memref<10240x16xf32, #tpu.memory_space<vmem_shared>>
    tpu.wait_indirect_dma semaphore(%arg12 : memref<!tpu.dma_semaphore, #tpu.memory_space<semaphore_mem>>) src(%dma_wait3A_58 : memref<128x16xf32, #tpu.memory_space<vmem>>) dst(%dma_wait3A_64 : memref<10240x16xf32, #tpu.memory_space<vmem_shared>>)
    %sub3A_65 = arith.constant 3 : i32
    %sub3A_66 = arith.subi %sub3A_1, %sub3A_65 : i32
    %add3A_67 = arith.constant 1 : i32
    %add3A_68 = arith.addi %sub3A_66, %add3A_67 : i32
    %rem3A_69 = arith.constant 6 : i32
    %rem3A_70 = arith.remsi %add3A_68, %rem3A_69 : i32
    %mul3A_71 = arith.constant 2 : i32
    %mul3A_72 = arith.muli %mul3A_71, %add3A_68 : i32
    %add3A_73 = arith.addi %mul3A_72, %arg0 : i32
    %dma_wait3A_74 = arith.constant 0 : i32
    %dma_wait3A_75 = arith.constant 0 : i32
    %dma_wait3A_76 = tpu.memref_slice %arg9[%rem3A_70, %dma_wait3A_74, %dma_wait3A_75] : memref<6x128x16xf32, #tpu.memory_space<vmem>> -> memref<1x128x16xf32, #tpu.memory_space<vmem>>
    %dma_wait3A_77 = tpu.memref_squeeze %dma_wait3A_76 : memref<1x128x16xf32, #tpu.memory_space<vmem>> -> memref<128x16xf32, #tpu.memory_space<vmem>>
    %dma_wait3A_78 = arith.constant 0 : i32
    %dma_wait3A_79 = tpu.memref_slice %arg8[%add3A_73, %dma_wait3A_78] : memref<157x128xi32, #tpu.memory_space<vmem>> -> memref<1x128xi32, #tpu.memory_space<vmem>>
    %dma_wait3A_80 = tpu.memref_squeeze %dma_wait3A_79 : memref<1x128xi32, #tpu.memory_space<vmem>> -> memref<128xi32, #tpu.memory_space<vmem>>
    %dma_wait3A_81 = arith.constant 0 : i32
    %dma_wait3A_82 = arith.constant 0 : i32
    %dma_wait3A_83 = tpu.memref_slice %arg10[%dma_wait3A_81, %dma_wait3A_82] : memref<10240x16xf32, #tpu.memory_space<vmem_shared>> -> memref<10240x16xf32, #tpu.memory_space<vmem_shared>>
    tpu.wait_indirect_dma semaphore(%arg12 : memref<!tpu.dma_semaphore, #tpu.memory_space<semaphore_mem>>) src(%dma_wait3A_77 : memref<128x16xf32, #tpu.memory_space<vmem>>) dst(%dma_wait3A_83 : memref<10240x16xf32, #tpu.memory_space<vmem_shared>>)
    %sub3A_84 = arith.constant 3 : i32
    %sub3A_85 = arith.subi %sub3A_1, %sub3A_84 : i32
    %add3A_86 = arith.constant 2 : i32
    %add3A_87 = arith.addi %sub3A_85, %add3A_86 : i32
    %rem3A_88 = arith.constant 6 : i32
    %rem3A_89 = arith.remsi %add3A_87, %rem3A_88 : i32
    %mul3A_90 = arith.constant 2 : i32
    %mul3A_91 = arith.muli %mul3A_90, %add3A_87 : i32
    %add3A_92 = arith.addi %mul3A_91, %arg0 : i32
    %dma_wait3A_93 = arith.constant 0 : i32
    %dma_wait3A_94 = arith.constant 0 : i32
    %dma_wait3A_95 = tpu.memref_slice %arg9[%rem3A_89, %dma_wait3A_93, %dma_wait3A_94] : memref<6x128x16xf32, #tpu.memory_space<vmem>> -> memref<1x128x16xf32, #tpu.memory_space<vmem>>
    %dma_wait3A_96 = tpu.memref_squeeze %dma_wait3A_95 : memref<1x128x16xf32, #tpu.memory_space<vmem>> -> memref<128x16xf32, #tpu.memory_space<vmem>>
    %dma_wait3A_97 = arith.constant 0 : i32
    %dma_wait3A_98 = tpu.memref_slice %arg8[%add3A_92, %dma_wait3A_97] : memref<157x128xi32, #tpu.memory_space<vmem>> -> memref<1x128xi32, #tpu.memory_space<vmem>>
    %dma_wait3A_99 = tpu.memref_squeeze %dma_wait3A_98 : memref<1x128xi32, #tpu.memory_space<vmem>> -> memref<128xi32, #tpu.memory_space<vmem>>
    %dma_wait3A_100 = arith.constant 0 : i32
    %dma_wait3A_101 = arith.constant 0 : i32
    %dma_wait3A_102 = tpu.memref_slice %arg10[%dma_wait3A_100, %dma_wait3A_101] : memref<10240x16xf32, #tpu.memory_space<vmem_shared>> -> memref<10240x16xf32, #tpu.memory_space<vmem_shared>>
    tpu.wait_indirect_dma semaphore(%arg12 : memref<!tpu.dma_semaphore, #tpu.memory_space<semaphore_mem>>) src(%dma_wait3A_96 : memref<128x16xf32, #tpu.memory_space<vmem>>) dst(%dma_wait3A_102 : memref<10240x16xf32, #tpu.memory_space<vmem_shared>>)
    %barrier3A_103 = arith.constant 0 : index
    tpu.barrier barrier_id(%barrier3A_103)
    %mul3A_104 = arith.constant 640 : i32
    %mul3A_105 = arith.muli %arg1, %mul3A_104 : i32
    "tpu.region"() ({
      %run_scoped3A = tpu.sem_alloc : memref<!tpu.dma_semaphore, #tpu.memory_space<semaphore_mem>>
      %dma_start3A_106 = arith.constant 0 : i32
      %dma_start3A_107 = tpu.memref_slice %arg6[%arg0, %mul3A_105, %dma_start3A_106] : memref<2x10240x16xf32, #tpu.memory_space<hbm>> -> memref<1x640x16xf32, #tpu.memory_space<hbm>>
      %dma_start3A_108 = tpu.memref_squeeze %dma_start3A_107 : memref<1x640x16xf32, #tpu.memory_space<hbm>> -> memref<640x16xf32, #tpu.memory_space<hbm>>
      %dma_start3A_109 = arith.constant 0 : i32
      %dma_start3A_110 = tpu.memref_slice %arg10[%mul3A_105, %dma_start3A_109] : memref<10240x16xf32, #tpu.memory_space<vmem_shared>> -> memref<640x16xf32, #tpu.memory_space<vmem_shared>>
      tpu.enqueue_dma source(%dma_start3A_110 : memref<640x16xf32, #tpu.memory_space<vmem_shared>>) target(%dma_start3A_108 : memref<640x16xf32, #tpu.memory_space<hbm>>) target_semaphore(%run_scoped3A : memref<!tpu.dma_semaphore, #tpu.memory_space<semaphore_mem>>)
      %dma_wait3A_111 = arith.constant 0 : i32
      %dma_wait3A_112 = tpu.memref_slice %arg6[%arg0, %mul3A_105, %dma_wait3A_111] : memref<2x10240x16xf32, #tpu.memory_space<hbm>> -> memref<1x640x16xf32, #tpu.memory_space<hbm>>
      %dma_wait3A_113 = tpu.memref_squeeze %dma_wait3A_112 : memref<1x640x16xf32, #tpu.memory_space<hbm>> -> memref<640x16xf32, #tpu.memory_space<hbm>>
      %dma_wait3A_114 = arith.constant 0 : i32
      %dma_wait3A_115 = tpu.memref_slice %arg10[%mul3A_105, %dma_wait3A_114] : memref<10240x16xf32, #tpu.memory_space<vmem_shared>> -> memref<640x16xf32, #tpu.memory_space<vmem_shared>>
      tpu.wait_dma2 semaphore(%run_scoped3A : memref<!tpu.dma_semaphore, #tpu.memory_space<semaphore_mem>>) src(%dma_wait3A_115 : memref<640x16xf32, #tpu.memory_space<vmem_shared>>) dst(%dma_wait3A_113 : memref<640x16xf32, #tpu.memory_space<hbm>>)
      tpu.yield
    }) : () -> ()
    return
  }
}

#map = affine_map<(d0, d1) -> (0, 0)>
#map1 = affine_map<(d0, d1) -> (0, 0, 0)>
module attributes {stable_mosaic.version = 14 : i64} {
  func.func @_sc_agg_l1_body(%arg0: i32, %arg1: i32, %arg2: memref<10000x64xf32, #tpu.memory_space<hbm>>, %arg3: memref<10000x64xf32, #tpu.memory_space<hbm>>, %arg4: memref<16x157x128xi32, #tpu.memory_space<hbm>>, %arg5: memref<16x157x128xi32, #tpu.memory_space<hbm>>, %arg6: memref<640x64xf32, #tpu.memory_space<hbm>>, %arg7: memref<640x16xf32, #tpu.memory_space<hbm>>, %arg8: memref<128x16xf32, #tpu.memory_space<hbm>>, %arg9: memref<2x10240x64xf32, #tpu.memory_space<hbm>>, %arg10: memref<2x10240x16xf32, #tpu.memory_space<hbm>>, %arg11: memref<157x128xi32, #tpu.memory_space<vmem>>, %arg12: memref<157x128xi32, #tpu.memory_space<vmem>>, %arg13: memref<4x128x64xf32, #tpu.memory_space<vmem>>, %arg14: memref<128x16xf32, #tpu.memory_space<vmem>>, %arg15: memref<10240x64xf32, #tpu.memory_space<vmem_shared>>, %arg16: memref<10240x16xf32, #tpu.memory_space<vmem_shared>>, %arg17: memref<!tpu.dma_semaphore, #tpu.memory_space<semaphore_mem>>, %arg18: memref<!tpu.dma_semaphore, #tpu.memory_space<semaphore_mem>>) attributes {dimension_semantics = [#tpu.dimension_semantics<core_parallel>, #tpu.dimension_semantics<subcore_parallel>], iteration_bounds = array<i64: 2, 16>, scalar_prefetch = 0 : i64, scratch_operands = 8 : i64, tpu.core_type = #tpu.core_type<sc_vector_subcore>, window_params = [{transform_indices = #map}, {transform_indices = #map}, {transform_indices = #map1}, {transform_indices = #map1}, {transform_indices = #map}, {transform_indices = #map}, {transform_indices = #map}, {transform_indices = #map1}, {transform_indices = #map1}]} {
    %mul3A = arith.constant 640 : i32
    %mul3A_0 = arith.muli %arg1, %mul3A : i32
    "tpu.region"() ({
      %run_scoped3A = tpu.sem_alloc : memref<!tpu.dma_semaphore, #tpu.memory_space<semaphore_mem>>
      %dma_start3A = arith.constant 0 : i32
      %dma_start3A_13 = tpu.memref_slice %arg15[%mul3A_0, %dma_start3A] : memref<10240x64xf32, #tpu.memory_space<vmem_shared>> -> memref<640x64xf32, #tpu.memory_space<vmem_shared>>
      tpu.enqueue_dma source(%arg6 : memref<640x64xf32, #tpu.memory_space<hbm>>) target(%dma_start3A_13 : memref<640x64xf32, #tpu.memory_space<vmem_shared>>) target_semaphore(%run_scoped3A : memref<!tpu.dma_semaphore, #tpu.memory_space<semaphore_mem>>)
      %dma_wait3A = arith.constant 0 : i32
      %dma_wait3A_14 = tpu.memref_slice %arg15[%mul3A_0, %dma_wait3A] : memref<10240x64xf32, #tpu.memory_space<vmem_shared>> -> memref<640x64xf32, #tpu.memory_space<vmem_shared>>
      tpu.wait_dma2 semaphore(%run_scoped3A : memref<!tpu.dma_semaphore, #tpu.memory_space<semaphore_mem>>) src(%arg6 : memref<640x64xf32, #tpu.memory_space<hbm>>) dst(%dma_wait3A_14 : memref<640x64xf32, #tpu.memory_space<vmem_shared>>)
      tpu.yield
    }) : () -> ()
    %mul3A_1 = arith.constant 640 : i32
    %mul3A_2 = arith.muli %arg1, %mul3A_1 : i32
    "tpu.region"() ({
      %run_scoped3A = tpu.sem_alloc : memref<!tpu.dma_semaphore, #tpu.memory_space<semaphore_mem>>
      %dma_start3A = arith.constant 0 : i32
      %dma_start3A_13 = tpu.memref_slice %arg16[%mul3A_2, %dma_start3A] : memref<10240x16xf32, #tpu.memory_space<vmem_shared>> -> memref<640x16xf32, #tpu.memory_space<vmem_shared>>
      tpu.enqueue_dma source(%arg7 : memref<640x16xf32, #tpu.memory_space<hbm>>) target(%dma_start3A_13 : memref<640x16xf32, #tpu.memory_space<vmem_shared>>) target_semaphore(%run_scoped3A : memref<!tpu.dma_semaphore, #tpu.memory_space<semaphore_mem>>)
      %dma_wait3A = arith.constant 0 : i32
      %dma_wait3A_14 = tpu.memref_slice %arg16[%mul3A_2, %dma_wait3A] : memref<10240x16xf32, #tpu.memory_space<vmem_shared>> -> memref<640x16xf32, #tpu.memory_space<vmem_shared>>
      tpu.wait_dma2 semaphore(%run_scoped3A : memref<!tpu.dma_semaphore, #tpu.memory_space<semaphore_mem>>) src(%arg7 : memref<640x16xf32, #tpu.memory_space<hbm>>) dst(%dma_wait3A_14 : memref<640x16xf32, #tpu.memory_space<vmem_shared>>)
      tpu.yield
    }) : () -> ()
    "tpu.region"() ({
      %run_scoped3A = tpu.sem_alloc : memref<!tpu.dma_semaphore, #tpu.memory_space<semaphore_mem>>
      %dma_start3A = arith.constant 0 : i32
      %dma_start3A_13 = arith.constant 0 : i32
      %dma_start3A_14 = tpu.memref_slice %arg4[%arg1, %dma_start3A, %dma_start3A_13] : memref<16x157x128xi32, #tpu.memory_space<hbm>> -> memref<1x157x128xi32, #tpu.memory_space<hbm>>
      %dma_start3A_15 = tpu.memref_squeeze %dma_start3A_14 : memref<1x157x128xi32, #tpu.memory_space<hbm>> -> memref<157x128xi32, #tpu.memory_space<hbm>>
      %dma_start3A_16 = arith.constant 0 : i32
      %dma_start3A_17 = arith.constant 0 : i32
      %dma_start3A_18 = tpu.memref_slice %arg4[%arg1, %dma_start3A_16, %dma_start3A_17] : memref<16x157x128xi32, #tpu.memory_space<hbm>> -> memref<1x157x128xi32, #tpu.memory_space<hbm>>
      %dma_start3A_19 = tpu.memref_squeeze %dma_start3A_18 : memref<1x157x128xi32, #tpu.memory_space<hbm>> -> memref<157x128xi32, #tpu.memory_space<hbm>>
      tpu.enqueue_dma source(%dma_start3A_19 : memref<157x128xi32, #tpu.memory_space<hbm>>) target(%arg11 : memref<157x128xi32, #tpu.memory_space<vmem>>) target_semaphore(%run_scoped3A : memref<!tpu.dma_semaphore, #tpu.memory_space<semaphore_mem>>)
      %dma_wait3A = arith.constant 0 : i32
      %dma_wait3A_20 = arith.constant 0 : i32
      %dma_wait3A_21 = tpu.memref_slice %arg4[%arg1, %dma_wait3A, %dma_wait3A_20] : memref<16x157x128xi32, #tpu.memory_space<hbm>> -> memref<1x157x128xi32, #tpu.memory_space<hbm>>
      %dma_wait3A_22 = tpu.memref_squeeze %dma_wait3A_21 : memref<1x157x128xi32, #tpu.memory_space<hbm>> -> memref<157x128xi32, #tpu.memory_space<hbm>>
      %dma_wait3A_23 = arith.constant 0 : i32
      %dma_wait3A_24 = arith.constant 0 : i32
      %dma_wait3A_25 = tpu.memref_slice %arg4[%arg1, %dma_wait3A_23, %dma_wait3A_24] : memref<16x157x128xi32, #tpu.memory_space<hbm>> -> memref<1x157x128xi32, #tpu.memory_space<hbm>>
      %dma_wait3A_26 = tpu.memref_squeeze %dma_wait3A_25 : memref<1x157x128xi32, #tpu.memory_space<hbm>> -> memref<157x128xi32, #tpu.memory_space<hbm>>
      tpu.wait_dma2 semaphore(%run_scoped3A : memref<!tpu.dma_semaphore, #tpu.memory_space<semaphore_mem>>) src(%dma_wait3A_26 : memref<157x128xi32, #tpu.memory_space<hbm>>) dst(%arg11 : memref<157x128xi32, #tpu.memory_space<vmem>>)
      tpu.yield
    }) : () -> ()
    "tpu.region"() ({
      %run_scoped3A = tpu.sem_alloc : memref<!tpu.dma_semaphore, #tpu.memory_space<semaphore_mem>>
      %dma_start3A = arith.constant 0 : i32
      %dma_start3A_13 = arith.constant 0 : i32
      %dma_start3A_14 = tpu.memref_slice %arg5[%arg1, %dma_start3A, %dma_start3A_13] : memref<16x157x128xi32, #tpu.memory_space<hbm>> -> memref<1x157x128xi32, #tpu.memory_space<hbm>>
      %dma_start3A_15 = tpu.memref_squeeze %dma_start3A_14 : memref<1x157x128xi32, #tpu.memory_space<hbm>> -> memref<157x128xi32, #tpu.memory_space<hbm>>
      %dma_start3A_16 = arith.constant 0 : i32
      %dma_start3A_17 = arith.constant 0 : i32
      %dma_start3A_18 = tpu.memref_slice %arg5[%arg1, %dma_start3A_16, %dma_start3A_17] : memref<16x157x128xi32, #tpu.memory_space<hbm>> -> memref<1x157x128xi32, #tpu.memory_space<hbm>>
      %dma_start3A_19 = tpu.memref_squeeze %dma_start3A_18 : memref<1x157x128xi32, #tpu.memory_space<hbm>> -> memref<157x128xi32, #tpu.memory_space<hbm>>
      tpu.enqueue_dma source(%dma_start3A_19 : memref<157x128xi32, #tpu.memory_space<hbm>>) target(%arg12 : memref<157x128xi32, #tpu.memory_space<vmem>>) target_semaphore(%run_scoped3A : memref<!tpu.dma_semaphore, #tpu.memory_space<semaphore_mem>>)
      %dma_wait3A = arith.constant 0 : i32
      %dma_wait3A_20 = arith.constant 0 : i32
      %dma_wait3A_21 = tpu.memref_slice %arg5[%arg1, %dma_wait3A, %dma_wait3A_20] : memref<16x157x128xi32, #tpu.memory_space<hbm>> -> memref<1x157x128xi32, #tpu.memory_space<hbm>>
      %dma_wait3A_22 = tpu.memref_squeeze %dma_wait3A_21 : memref<1x157x128xi32, #tpu.memory_space<hbm>> -> memref<157x128xi32, #tpu.memory_space<hbm>>
      %dma_wait3A_23 = arith.constant 0 : i32
      %dma_wait3A_24 = arith.constant 0 : i32
      %dma_wait3A_25 = tpu.memref_slice %arg5[%arg1, %dma_wait3A_23, %dma_wait3A_24] : memref<16x157x128xi32, #tpu.memory_space<hbm>> -> memref<1x157x128xi32, #tpu.memory_space<hbm>>
      %dma_wait3A_26 = tpu.memref_squeeze %dma_wait3A_25 : memref<1x157x128xi32, #tpu.memory_space<hbm>> -> memref<157x128xi32, #tpu.memory_space<hbm>>
      tpu.wait_dma2 semaphore(%run_scoped3A : memref<!tpu.dma_semaphore, #tpu.memory_space<semaphore_mem>>) src(%dma_wait3A_26 : memref<157x128xi32, #tpu.memory_space<hbm>>) dst(%arg12 : memref<157x128xi32, #tpu.memory_space<vmem>>)
      tpu.yield
    }) : () -> ()
    "tpu.region"() ({
      %run_scoped3A = tpu.sem_alloc : memref<!tpu.dma_semaphore, #tpu.memory_space<semaphore_mem>>
      tpu.enqueue_dma source(%arg8 : memref<128x16xf32, #tpu.memory_space<hbm>>) target(%arg14 : memref<128x16xf32, #tpu.memory_space<vmem>>) target_semaphore(%run_scoped3A : memref<!tpu.dma_semaphore, #tpu.memory_space<semaphore_mem>>)
      tpu.wait_dma2 semaphore(%run_scoped3A : memref<!tpu.dma_semaphore, #tpu.memory_space<semaphore_mem>>) src(%arg8 : memref<128x16xf32, #tpu.memory_space<hbm>>) dst(%arg14 : memref<128x16xf32, #tpu.memory_space<vmem>>)
      tpu.yield
    }) : () -> ()
    %barrier3A = arith.constant 0 : index
    tpu.barrier barrier_id(%barrier3A)
    %eq3A = arith.constant 0 : i32
    %eq3A_3 = arith.cmpi eq, %arg0, %eq3A : i32
    %convert_element_type3A = arith.extui %eq3A_3 : i1 to i32
    %cond3A = arith.constant 0 : i32
    %cond3A_4 = arith.cmpi ne, %convert_element_type3A, %cond3A : i32
    scf.if %cond3A_4 {
      %dma_start3A = arith.constant 0 : i32
      %dma_start3A_13 = arith.constant 0 : i32
      %dma_start3A_14 = arith.constant 0 : i32
      %dma_start3A_15 = arith.constant 0 : i32
      %dma_start3A_16 = tpu.memref_slice %arg13[%dma_start3A_13, %dma_start3A_14, %dma_start3A_15] : memref<4x128x64xf32, #tpu.memory_space<vmem>> -> memref<1x128x64xf32, #tpu.memory_space<vmem>>
      %dma_start3A_17 = tpu.memref_squeeze %dma_start3A_16 : memref<1x128x64xf32, #tpu.memory_space<vmem>> -> memref<128x64xf32, #tpu.memory_space<vmem>>
      %dma_start3A_18 = arith.constant 0 : i32
      %dma_start3A_19 = tpu.memref_slice %arg11[%dma_start3A, %dma_start3A_18] : memref<157x128xi32, #tpu.memory_space<vmem>> -> memref<1x128xi32, #tpu.memory_space<vmem>>
      %dma_start3A_20 = tpu.memref_squeeze %dma_start3A_19 : memref<1x128xi32, #tpu.memory_space<vmem>> -> memref<128xi32, #tpu.memory_space<vmem>>
      %dma_start3A_21 = arith.constant 0 : i32
      %dma_start3A_22 = arith.constant 0 : i32
      %dma_start3A_23 = tpu.memref_slice %arg2[%dma_start3A_21, %dma_start3A_22] : memref<10000x64xf32, #tpu.memory_space<hbm>> -> memref<10000x64xf32, #tpu.memory_space<hbm>>
      tpu.enqueue_indirect_dma source(%dma_start3A_23 : memref<10000x64xf32, #tpu.memory_space<hbm>>) target(%dma_start3A_17 : memref<128x64xf32, #tpu.memory_space<vmem>>) offsets(%dma_start3A_20 : memref<128xi32, #tpu.memory_space<vmem>>) semaphore(%arg17 : memref<!tpu.dma_semaphore, #tpu.memory_space<semaphore_mem>>)
      %dma_start3A_24 = arith.constant 1 : i32
      %dma_start3A_25 = arith.constant 1 : i32
      %dma_start3A_26 = arith.constant 0 : i32
      %dma_start3A_27 = arith.constant 0 : i32
      %dma_start3A_28 = tpu.memref_slice %arg13[%dma_start3A_25, %dma_start3A_26, %dma_start3A_27] : memref<4x128x64xf32, #tpu.memory_space<vmem>> -> memref<1x128x64xf32, #tpu.memory_space<vmem>>
      %dma_start3A_29 = tpu.memref_squeeze %dma_start3A_28 : memref<1x128x64xf32, #tpu.memory_space<vmem>> -> memref<128x64xf32, #tpu.memory_space<vmem>>
      %dma_start3A_30 = arith.constant 0 : i32
      %dma_start3A_31 = tpu.memref_slice %arg11[%dma_start3A_24, %dma_start3A_30] : memref<157x128xi32, #tpu.memory_space<vmem>> -> memref<1x128xi32, #tpu.memory_space<vmem>>
      %dma_start3A_32 = tpu.memref_squeeze %dma_start3A_31 : memref<1x128xi32, #tpu.memory_space<vmem>> -> memref<128xi32, #tpu.memory_space<vmem>>
      %dma_start3A_33 = arith.constant 0 : i32
      %dma_start3A_34 = arith.constant 0 : i32
      %dma_start3A_35 = tpu.memref_slice %arg2[%dma_start3A_33, %dma_start3A_34] : memref<10000x64xf32, #tpu.memory_space<hbm>> -> memref<10000x64xf32, #tpu.memory_space<hbm>>
      tpu.enqueue_indirect_dma source(%dma_start3A_35 : memref<10000x64xf32, #tpu.memory_space<hbm>>) target(%dma_start3A_29 : memref<128x64xf32, #tpu.memory_space<vmem>>) offsets(%dma_start3A_32 : memref<128xi32, #tpu.memory_space<vmem>>) semaphore(%arg17 : memref<!tpu.dma_semaphore, #tpu.memory_space<semaphore_mem>>)
      %dma_start3A_36 = arith.constant 2 : i32
      %dma_start3A_37 = arith.constant 2 : i32
      %dma_start3A_38 = arith.constant 0 : i32
      %dma_start3A_39 = arith.constant 0 : i32
      %dma_start3A_40 = tpu.memref_slice %arg13[%dma_start3A_37, %dma_start3A_38, %dma_start3A_39] : memref<4x128x64xf32, #tpu.memory_space<vmem>> -> memref<1x128x64xf32, #tpu.memory_space<vmem>>
      %dma_start3A_41 = tpu.memref_squeeze %dma_start3A_40 : memref<1x128x64xf32, #tpu.memory_space<vmem>> -> memref<128x64xf32, #tpu.memory_space<vmem>>
      %dma_start3A_42 = arith.constant 0 : i32
      %dma_start3A_43 = tpu.memref_slice %arg11[%dma_start3A_36, %dma_start3A_42] : memref<157x128xi32, #tpu.memory_space<vmem>> -> memref<1x128xi32, #tpu.memory_space<vmem>>
      %dma_start3A_44 = tpu.memref_squeeze %dma_start3A_43 : memref<1x128xi32, #tpu.memory_space<vmem>> -> memref<128xi32, #tpu.memory_space<vmem>>
      %dma_start3A_45 = arith.constant 0 : i32
      %dma_start3A_46 = arith.constant 0 : i32
      %dma_start3A_47 = tpu.memref_slice %arg2[%dma_start3A_45, %dma_start3A_46] : memref<10000x64xf32, #tpu.memory_space<hbm>> -> memref<10000x64xf32, #tpu.memory_space<hbm>>
      tpu.enqueue_indirect_dma source(%dma_start3A_47 : memref<10000x64xf32, #tpu.memory_space<hbm>>) target(%dma_start3A_41 : memref<128x64xf32, #tpu.memory_space<vmem>>) offsets(%dma_start3A_44 : memref<128xi32, #tpu.memory_space<vmem>>) semaphore(%arg17 : memref<!tpu.dma_semaphore, #tpu.memory_space<semaphore_mem>>)
      %scan3A = arith.constant 0 : i32
      %scan3A_48 = arith.constant 0 : i32
      %scan3A_49 = arith.constant 157 : i32
      %scan3A_50 = arith.addi %scan3A_48, %scan3A_49 : i32
      %scan3A_51 = arith.constant 1 : i32
      scf.for %scan3A_64 = %scan3A_48 to %scan3A_50 step %scan3A_51  : i32 {
        %jit3A = arith.constant 4 : i32
        %eq3A_65 = arith.constant 0 : i32
        %eq3A_66 = arith.cmpi eq, %jit3A, %eq3A_65 : i32
        %jit3A_67 = arith.constant 1 : i32
        %select_n3A = arith.select %eq3A_66, %jit3A_67, %jit3A : i32
        %rem3A = arith.remsi %scan3A_64, %select_n3A : i32
        %ne3A = arith.constant 0 : i32
        %ne3A_68 = arith.cmpi ne, %rem3A, %ne3A : i32
        %lt3A = arith.constant 0 : i32
        %lt3A_69 = arith.cmpi slt, %rem3A, %lt3A : i32
        %lt3A_70 = arith.constant 0 : i32
        %lt3A_71 = arith.cmpi slt, %select_n3A, %lt3A_70 : i32
        %ne3A_72 = arith.xori %lt3A_69, %lt3A_71 : i1
        %and3A = arith.andi %ne3A_72, %ne3A_68 : i1
        %add3A = arith.addi %rem3A, %select_n3A : i32
        %select_n3A_73 = arith.select %and3A, %add3A, %rem3A : i32
        %dma_wait3A_74 = arith.constant 0 : i32
        %dma_wait3A_75 = arith.constant 0 : i32
        %dma_wait3A_76 = tpu.memref_slice %arg13[%select_n3A_73, %dma_wait3A_74, %dma_wait3A_75] : memref<4x128x64xf32, #tpu.memory_space<vmem>> -> memref<1x128x64xf32, #tpu.memory_space<vmem>>
        %dma_wait3A_77 = tpu.memref_squeeze %dma_wait3A_76 : memref<1x128x64xf32, #tpu.memory_space<vmem>> -> memref<128x64xf32, #tpu.memory_space<vmem>>
        %dma_wait3A_78 = arith.constant 0 : i32
        %dma_wait3A_79 = tpu.memref_slice %arg11[%scan3A_64, %dma_wait3A_78] : memref<157x128xi32, #tpu.memory_space<vmem>> -> memref<1x128xi32, #tpu.memory_space<vmem>>
        %dma_wait3A_80 = tpu.memref_squeeze %dma_wait3A_79 : memref<1x128xi32, #tpu.memory_space<vmem>> -> memref<128xi32, #tpu.memory_space<vmem>>
        %dma_wait3A_81 = arith.constant 0 : i32
        %dma_wait3A_82 = arith.constant 0 : i32
        %dma_wait3A_83 = tpu.memref_slice %arg2[%dma_wait3A_81, %dma_wait3A_82] : memref<10000x64xf32, #tpu.memory_space<hbm>> -> memref<10000x64xf32, #tpu.memory_space<hbm>>
        tpu.wait_indirect_dma semaphore(%arg17 : memref<!tpu.dma_semaphore, #tpu.memory_space<semaphore_mem>>) src(%dma_wait3A_83 : memref<10000x64xf32, #tpu.memory_space<hbm>>) dst(%dma_wait3A_77 : memref<128x64xf32, #tpu.memory_space<vmem>>)
        %ge3A = arith.constant 1 : i32
        %ge3A_84 = arith.cmpi sge, %scan3A_64, %ge3A : i32
        %convert_element_type3A_85 = arith.extui %ge3A_84 : i1 to i32
        %cond3A_86 = arith.constant 0 : i32
        %cond3A_87 = arith.cmpi ne, %convert_element_type3A_85, %cond3A_86 : i32
        scf.if %cond3A_87 {
          %sub3A = arith.constant 1 : i32
          %sub3A_128 = arith.subi %scan3A_64, %sub3A : i32
          %jit3A_129 = arith.constant 4 : i32
          %eq3A_130 = arith.constant 0 : i32
          %eq3A_131 = arith.cmpi eq, %jit3A_129, %eq3A_130 : i32
          %jit3A_132 = arith.constant 1 : i32
          %select_n3A_133 = arith.select %eq3A_131, %jit3A_132, %jit3A_129 : i32
          %rem3A_134 = arith.remsi %sub3A_128, %select_n3A_133 : i32
          %ne3A_135 = arith.constant 0 : i32
          %ne3A_136 = arith.cmpi ne, %rem3A_134, %ne3A_135 : i32
          %lt3A_137 = arith.constant 0 : i32
          %lt3A_138 = arith.cmpi slt, %rem3A_134, %lt3A_137 : i32
          %lt3A_139 = arith.constant 0 : i32
          %lt3A_140 = arith.cmpi slt, %select_n3A_133, %lt3A_139 : i32
          %ne3A_141 = arith.xori %lt3A_138, %lt3A_140 : i1
          %and3A_142 = arith.andi %ne3A_141, %ne3A_136 : i1
          %add3A_143 = arith.addi %rem3A_134, %select_n3A_133 : i32
          %select_n3A_144 = arith.select %and3A_142, %add3A_143, %rem3A_134 : i32
          %sub3A_145 = arith.constant 1 : i32
          %sub3A_146 = arith.subi %scan3A_64, %sub3A_145 : i32
          %dma_wait3A_147 = arith.constant 0 : i32
          %dma_wait3A_148 = arith.constant 0 : i32
          %dma_wait3A_149 = tpu.memref_slice %arg13[%select_n3A_144, %dma_wait3A_147, %dma_wait3A_148] : memref<4x128x64xf32, #tpu.memory_space<vmem>> -> memref<1x128x64xf32, #tpu.memory_space<vmem>>
          %dma_wait3A_150 = tpu.memref_squeeze %dma_wait3A_149 : memref<1x128x64xf32, #tpu.memory_space<vmem>> -> memref<128x64xf32, #tpu.memory_space<vmem>>
          %dma_wait3A_151 = arith.constant 0 : i32
          %dma_wait3A_152 = tpu.memref_slice %arg12[%sub3A_146, %dma_wait3A_151] : memref<157x128xi32, #tpu.memory_space<vmem>> -> memref<1x128xi32, #tpu.memory_space<vmem>>
          %dma_wait3A_153 = tpu.memref_squeeze %dma_wait3A_152 : memref<1x128xi32, #tpu.memory_space<vmem>> -> memref<128xi32, #tpu.memory_space<vmem>>
          %dma_wait3A_154 = arith.constant 0 : i32
          %dma_wait3A_155 = arith.constant 0 : i32
          %dma_wait3A_156 = tpu.memref_slice %arg15[%dma_wait3A_154, %dma_wait3A_155] : memref<10240x64xf32, #tpu.memory_space<vmem_shared>> -> memref<10240x64xf32, #tpu.memory_space<vmem_shared>>
          tpu.wait_indirect_dma semaphore(%arg18 : memref<!tpu.dma_semaphore, #tpu.memory_space<semaphore_mem>>) src(%dma_wait3A_150 : memref<128x64xf32, #tpu.memory_space<vmem>>) dst(%dma_wait3A_156 : memref<10240x64xf32, #tpu.memory_space<vmem_shared>>)
        } else {
        }
        %add3A_88 = arith.constant 3 : i32
        %add3A_89 = arith.addi %scan3A_64, %add3A_88 : i32
        %lt3A_90 = arith.constant 157 : i32
        %lt3A_91 = arith.cmpi slt, %add3A_89, %lt3A_90 : i32
        %convert_element_type3A_92 = arith.extui %lt3A_91 : i1 to i32
        %cond3A_93 = arith.constant 0 : i32
        %cond3A_94 = arith.cmpi ne, %convert_element_type3A_92, %cond3A_93 : i32
        scf.if %cond3A_94 {
          %add3A_128 = arith.constant 3 : i32
          %add3A_129 = arith.addi %scan3A_64, %add3A_128 : i32
          %add3A_130 = arith.constant 3 : i32
          %add3A_131 = arith.addi %scan3A_64, %add3A_130 : i32
          %jit3A_132 = arith.constant 4 : i32
          %eq3A_133 = arith.constant 0 : i32
          %eq3A_134 = arith.cmpi eq, %jit3A_132, %eq3A_133 : i32
          %jit3A_135 = arith.constant 1 : i32
          %select_n3A_136 = arith.select %eq3A_134, %jit3A_135, %jit3A_132 : i32
          %rem3A_137 = arith.remsi %add3A_131, %select_n3A_136 : i32
          %ne3A_138 = arith.constant 0 : i32
          %ne3A_139 = arith.cmpi ne, %rem3A_137, %ne3A_138 : i32
          %lt3A_140 = arith.constant 0 : i32
          %lt3A_141 = arith.cmpi slt, %rem3A_137, %lt3A_140 : i32
          %lt3A_142 = arith.constant 0 : i32
          %lt3A_143 = arith.cmpi slt, %select_n3A_136, %lt3A_142 : i32
          %ne3A_144 = arith.xori %lt3A_141, %lt3A_143 : i1
          %and3A_145 = arith.andi %ne3A_144, %ne3A_139 : i1
          %add3A_146 = arith.addi %rem3A_137, %select_n3A_136 : i32
          %select_n3A_147 = arith.select %and3A_145, %add3A_146, %rem3A_137 : i32
          %dma_start3A_148 = arith.constant 0 : i32
          %dma_start3A_149 = arith.constant 0 : i32
          %dma_start3A_150 = tpu.memref_slice %arg13[%select_n3A_147, %dma_start3A_148, %dma_start3A_149] : memref<4x128x64xf32, #tpu.memory_space<vmem>> -> memref<1x128x64xf32, #tpu.memory_space<vmem>>
          %dma_start3A_151 = tpu.memref_squeeze %dma_start3A_150 : memref<1x128x64xf32, #tpu.memory_space<vmem>> -> memref<128x64xf32, #tpu.memory_space<vmem>>
          %dma_start3A_152 = arith.constant 0 : i32
          %dma_start3A_153 = tpu.memref_slice %arg11[%add3A_129, %dma_start3A_152] : memref<157x128xi32, #tpu.memory_space<vmem>> -> memref<1x128xi32, #tpu.memory_space<vmem>>
          %dma_start3A_154 = tpu.memref_squeeze %dma_start3A_153 : memref<1x128xi32, #tpu.memory_space<vmem>> -> memref<128xi32, #tpu.memory_space<vmem>>
          %dma_start3A_155 = arith.constant 0 : i32
          %dma_start3A_156 = arith.constant 0 : i32
          %dma_start3A_157 = tpu.memref_slice %arg2[%dma_start3A_155, %dma_start3A_156] : memref<10000x64xf32, #tpu.memory_space<hbm>> -> memref<10000x64xf32, #tpu.memory_space<hbm>>
          tpu.enqueue_indirect_dma source(%dma_start3A_157 : memref<10000x64xf32, #tpu.memory_space<hbm>>) target(%dma_start3A_151 : memref<128x64xf32, #tpu.memory_space<vmem>>) offsets(%dma_start3A_154 : memref<128xi32, #tpu.memory_space<vmem>>) semaphore(%arg17 : memref<!tpu.dma_semaphore, #tpu.memory_space<semaphore_mem>>)
        } else {
        }
        %jit3A_95 = arith.constant 4 : i32
        %eq3A_96 = arith.constant 0 : i32
        %eq3A_97 = arith.cmpi eq, %jit3A_95, %eq3A_96 : i32
        %jit3A_98 = arith.constant 1 : i32
        %select_n3A_99 = arith.select %eq3A_97, %jit3A_98, %jit3A_95 : i32
        %rem3A_100 = arith.remsi %scan3A_64, %select_n3A_99 : i32
        %ne3A_101 = arith.constant 0 : i32
        %ne3A_102 = arith.cmpi ne, %rem3A_100, %ne3A_101 : i32
        %lt3A_103 = arith.constant 0 : i32
        %lt3A_104 = arith.cmpi slt, %rem3A_100, %lt3A_103 : i32
        %lt3A_105 = arith.constant 0 : i32
        %lt3A_106 = arith.cmpi slt, %select_n3A_99, %lt3A_105 : i32
        %ne3A_107 = arith.xori %lt3A_104, %lt3A_106 : i1
        %and3A_108 = arith.andi %ne3A_107, %ne3A_102 : i1
        %add3A_109 = arith.addi %rem3A_100, %select_n3A_99 : i32
        %select_n3A_110 = arith.select %and3A_108, %add3A_109, %rem3A_100 : i32
        %dma_start3A_111 = arith.constant 0 : i32
        %dma_start3A_112 = arith.constant 0 : i32
        %dma_start3A_113 = tpu.memref_slice %arg13[%select_n3A_110, %dma_start3A_111, %dma_start3A_112] : memref<4x128x64xf32, #tpu.memory_space<vmem>> -> memref<1x128x64xf32, #tpu.memory_space<vmem>>
        %dma_start3A_114 = tpu.memref_squeeze %dma_start3A_113 : memref<1x128x64xf32, #tpu.memory_space<vmem>> -> memref<128x64xf32, #tpu.memory_space<vmem>>
        %dma_start3A_115 = arith.constant 0 : i32
        %dma_start3A_116 = tpu.memref_slice %arg12[%scan3A_64, %dma_start3A_115] : memref<157x128xi32, #tpu.memory_space<vmem>> -> memref<1x128xi32, #tpu.memory_space<vmem>>
        %dma_start3A_117 = tpu.memref_squeeze %dma_start3A_116 : memref<1x128xi32, #tpu.memory_space<vmem>> -> memref<128xi32, #tpu.memory_space<vmem>>
        %dma_start3A_118 = arith.constant 0 : i32
        %dma_start3A_119 = arith.constant 0 : i32
        %dma_start3A_120 = tpu.memref_slice %arg15[%dma_start3A_118, %dma_start3A_119] : memref<10240x64xf32, #tpu.memory_space<vmem_shared>> -> memref<10240x64xf32, #tpu.memory_space<vmem_shared>>
        tpu.enqueue_indirect_dma source(%dma_start3A_114 : memref<128x64xf32, #tpu.memory_space<vmem>>) target(%dma_start3A_120 : memref<10240x64xf32, #tpu.memory_space<vmem_shared>>) offsets(%dma_start3A_117 : memref<128xi32, #tpu.memory_space<vmem>>) semaphore(%arg18 : memref<!tpu.dma_semaphore, #tpu.memory_space<semaphore_mem>>) {add = true}
        %rem3A_121 = arith.constant 2 : i32
        %rem3A_122 = arith.remsi %scan3A_64, %rem3A_121 : i32
        %eq3A_123 = arith.constant 0 : i32
        %eq3A_124 = arith.cmpi eq, %rem3A_122, %eq3A_123 : i32
        %convert_element_type3A_125 = arith.extui %eq3A_124 : i1 to i32
        %cond3A_126 = arith.constant 0 : i32
        %cond3A_127 = arith.cmpi ne, %convert_element_type3A_125, %cond3A_126 : i32
        scf.if %cond3A_127 {
          "tpu.region"() ({
            %run_scoped3A = tpu.sem_alloc : memref<!tpu.dma_semaphore, #tpu.memory_space<semaphore_mem>>
            %dma_start3A_128 = arith.constant 0 : i32
            %dma_start3A_129 = tpu.memref_slice %arg12[%scan3A_64, %dma_start3A_128] : memref<157x128xi32, #tpu.memory_space<vmem>> -> memref<1x128xi32, #tpu.memory_space<vmem>>
            %dma_start3A_130 = tpu.memref_squeeze %dma_start3A_129 : memref<1x128xi32, #tpu.memory_space<vmem>> -> memref<128xi32, #tpu.memory_space<vmem>>
            %dma_start3A_131 = arith.constant 0 : i32
            %dma_start3A_132 = arith.constant 0 : i32
            %dma_start3A_133 = tpu.memref_slice %arg16[%dma_start3A_131, %dma_start3A_132] : memref<10240x16xf32, #tpu.memory_space<vmem_shared>> -> memref<10240x16xf32, #tpu.memory_space<vmem_shared>>
            tpu.enqueue_indirect_dma source(%arg14 : memref<128x16xf32, #tpu.memory_space<vmem>>) target(%dma_start3A_133 : memref<10240x16xf32, #tpu.memory_space<vmem_shared>>) offsets(%dma_start3A_130 : memref<128xi32, #tpu.memory_space<vmem>>) semaphore(%run_scoped3A : memref<!tpu.dma_semaphore, #tpu.memory_space<semaphore_mem>>) {add = true}
            %dma_wait3A_134 = arith.constant 0 : i32
            %dma_wait3A_135 = tpu.memref_slice %arg12[%scan3A_64, %dma_wait3A_134] : memref<157x128xi32, #tpu.memory_space<vmem>> -> memref<1x128xi32, #tpu.memory_space<vmem>>
            %dma_wait3A_136 = tpu.memref_squeeze %dma_wait3A_135 : memref<1x128xi32, #tpu.memory_space<vmem>> -> memref<128xi32, #tpu.memory_space<vmem>>
            %dma_wait3A_137 = arith.constant 0 : i32
            %dma_wait3A_138 = arith.constant 0 : i32
            %dma_wait3A_139 = tpu.memref_slice %arg16[%dma_wait3A_137, %dma_wait3A_138] : memref<10240x16xf32, #tpu.memory_space<vmem_shared>> -> memref<10240x16xf32, #tpu.memory_space<vmem_shared>>
            tpu.wait_indirect_dma semaphore(%run_scoped3A : memref<!tpu.dma_semaphore, #tpu.memory_space<semaphore_mem>>) src(%arg14 : memref<128x16xf32, #tpu.memory_space<vmem>>) dst(%dma_wait3A_139 : memref<10240x16xf32, #tpu.memory_space<vmem_shared>>)
            tpu.yield
          }) : () -> ()
        } else {
        }
      }
      %scan3A_52 = arith.constant 157 : i32
      %dma_wait3A = arith.constant 0 : i32
      %dma_wait3A_53 = arith.constant 156 : i32
      %dma_wait3A_54 = arith.constant 0 : i32
      %dma_wait3A_55 = arith.constant 0 : i32
      %dma_wait3A_56 = tpu.memref_slice %arg13[%dma_wait3A, %dma_wait3A_54, %dma_wait3A_55] : memref<4x128x64xf32, #tpu.memory_space<vmem>> -> memref<1x128x64xf32, #tpu.memory_space<vmem>>
      %dma_wait3A_57 = tpu.memref_squeeze %dma_wait3A_56 : memref<1x128x64xf32, #tpu.memory_space<vmem>> -> memref<128x64xf32, #tpu.memory_space<vmem>>
      %dma_wait3A_58 = arith.constant 0 : i32
      %dma_wait3A_59 = tpu.memref_slice %arg12[%dma_wait3A_53, %dma_wait3A_58] : memref<157x128xi32, #tpu.memory_space<vmem>> -> memref<1x128xi32, #tpu.memory_space<vmem>>
      %dma_wait3A_60 = tpu.memref_squeeze %dma_wait3A_59 : memref<1x128xi32, #tpu.memory_space<vmem>> -> memref<128xi32, #tpu.memory_space<vmem>>
      %dma_wait3A_61 = arith.constant 0 : i32
      %dma_wait3A_62 = arith.constant 0 : i32
      %dma_wait3A_63 = tpu.memref_slice %arg15[%dma_wait3A_61, %dma_wait3A_62] : memref<10240x64xf32, #tpu.memory_space<vmem_shared>> -> memref<10240x64xf32, #tpu.memory_space<vmem_shared>>
      tpu.wait_indirect_dma semaphore(%arg18 : memref<!tpu.dma_semaphore, #tpu.memory_space<semaphore_mem>>) src(%dma_wait3A_57 : memref<128x64xf32, #tpu.memory_space<vmem>>) dst(%dma_wait3A_63 : memref<10240x64xf32, #tpu.memory_space<vmem_shared>>)
    } else {
    }
    %eq3A_5 = arith.constant 1 : i32
    %eq3A_6 = arith.cmpi eq, %arg0, %eq3A_5 : i32
    %convert_element_type3A_7 = arith.extui %eq3A_6 : i1 to i32
    %cond3A_8 = arith.constant 0 : i32
    %cond3A_9 = arith.cmpi ne, %convert_element_type3A_7, %cond3A_8 : i32
    scf.if %cond3A_9 {
      %dma_start3A = arith.constant 0 : i32
      %dma_start3A_13 = arith.constant 0 : i32
      %dma_start3A_14 = arith.constant 0 : i32
      %dma_start3A_15 = arith.constant 0 : i32
      %dma_start3A_16 = tpu.memref_slice %arg13[%dma_start3A_13, %dma_start3A_14, %dma_start3A_15] : memref<4x128x64xf32, #tpu.memory_space<vmem>> -> memref<1x128x64xf32, #tpu.memory_space<vmem>>
      %dma_start3A_17 = tpu.memref_squeeze %dma_start3A_16 : memref<1x128x64xf32, #tpu.memory_space<vmem>> -> memref<128x64xf32, #tpu.memory_space<vmem>>
      %dma_start3A_18 = arith.constant 0 : i32
      %dma_start3A_19 = tpu.memref_slice %arg11[%dma_start3A, %dma_start3A_18] : memref<157x128xi32, #tpu.memory_space<vmem>> -> memref<1x128xi32, #tpu.memory_space<vmem>>
      %dma_start3A_20 = tpu.memref_squeeze %dma_start3A_19 : memref<1x128xi32, #tpu.memory_space<vmem>> -> memref<128xi32, #tpu.memory_space<vmem>>
      %dma_start3A_21 = arith.constant 0 : i32
      %dma_start3A_22 = arith.constant 0 : i32
      %dma_start3A_23 = tpu.memref_slice %arg3[%dma_start3A_21, %dma_start3A_22] : memref<10000x64xf32, #tpu.memory_space<hbm>> -> memref<10000x64xf32, #tpu.memory_space<hbm>>
      tpu.enqueue_indirect_dma source(%dma_start3A_23 : memref<10000x64xf32, #tpu.memory_space<hbm>>) target(%dma_start3A_17 : memref<128x64xf32, #tpu.memory_space<vmem>>) offsets(%dma_start3A_20 : memref<128xi32, #tpu.memory_space<vmem>>) semaphore(%arg17 : memref<!tpu.dma_semaphore, #tpu.memory_space<semaphore_mem>>)
      %dma_start3A_24 = arith.constant 1 : i32
      %dma_start3A_25 = arith.constant 1 : i32
      %dma_start3A_26 = arith.constant 0 : i32
      %dma_start3A_27 = arith.constant 0 : i32
      %dma_start3A_28 = tpu.memref_slice %arg13[%dma_start3A_25, %dma_start3A_26, %dma_start3A_27] : memref<4x128x64xf32, #tpu.memory_space<vmem>> -> memref<1x128x64xf32, #tpu.memory_space<vmem>>
      %dma_start3A_29 = tpu.memref_squeeze %dma_start3A_28 : memref<1x128x64xf32, #tpu.memory_space<vmem>> -> memref<128x64xf32, #tpu.memory_space<vmem>>
      %dma_start3A_30 = arith.constant 0 : i32
      %dma_start3A_31 = tpu.memref_slice %arg11[%dma_start3A_24, %dma_start3A_30] : memref<157x128xi32, #tpu.memory_space<vmem>> -> memref<1x128xi32, #tpu.memory_space<vmem>>
      %dma_start3A_32 = tpu.memref_squeeze %dma_start3A_31 : memref<1x128xi32, #tpu.memory_space<vmem>> -> memref<128xi32, #tpu.memory_space<vmem>>
      %dma_start3A_33 = arith.constant 0 : i32
      %dma_start3A_34 = arith.constant 0 : i32
      %dma_start3A_35 = tpu.memref_slice %arg3[%dma_start3A_33, %dma_start3A_34] : memref<10000x64xf32, #tpu.memory_space<hbm>> -> memref<10000x64xf32, #tpu.memory_space<hbm>>
      tpu.enqueue_indirect_dma source(%dma_start3A_35 : memref<10000x64xf32, #tpu.memory_space<hbm>>) target(%dma_start3A_29 : memref<128x64xf32, #tpu.memory_space<vmem>>) offsets(%dma_start3A_32 : memref<128xi32, #tpu.memory_space<vmem>>) semaphore(%arg17 : memref<!tpu.dma_semaphore, #tpu.memory_space<semaphore_mem>>)
      %dma_start3A_36 = arith.constant 2 : i32
      %dma_start3A_37 = arith.constant 2 : i32
      %dma_start3A_38 = arith.constant 0 : i32
      %dma_start3A_39 = arith.constant 0 : i32
      %dma_start3A_40 = tpu.memref_slice %arg13[%dma_start3A_37, %dma_start3A_38, %dma_start3A_39] : memref<4x128x64xf32, #tpu.memory_space<vmem>> -> memref<1x128x64xf32, #tpu.memory_space<vmem>>
      %dma_start3A_41 = tpu.memref_squeeze %dma_start3A_40 : memref<1x128x64xf32, #tpu.memory_space<vmem>> -> memref<128x64xf32, #tpu.memory_space<vmem>>
      %dma_start3A_42 = arith.constant 0 : i32
      %dma_start3A_43 = tpu.memref_slice %arg11[%dma_start3A_36, %dma_start3A_42] : memref<157x128xi32, #tpu.memory_space<vmem>> -> memref<1x128xi32, #tpu.memory_space<vmem>>
      %dma_start3A_44 = tpu.memref_squeeze %dma_start3A_43 : memref<1x128xi32, #tpu.memory_space<vmem>> -> memref<128xi32, #tpu.memory_space<vmem>>
      %dma_start3A_45 = arith.constant 0 : i32
      %dma_start3A_46 = arith.constant 0 : i32
      %dma_start3A_47 = tpu.memref_slice %arg3[%dma_start3A_45, %dma_start3A_46] : memref<10000x64xf32, #tpu.memory_space<hbm>> -> memref<10000x64xf32, #tpu.memory_space<hbm>>
      tpu.enqueue_indirect_dma source(%dma_start3A_47 : memref<10000x64xf32, #tpu.memory_space<hbm>>) target(%dma_start3A_41 : memref<128x64xf32, #tpu.memory_space<vmem>>) offsets(%dma_start3A_44 : memref<128xi32, #tpu.memory_space<vmem>>) semaphore(%arg17 : memref<!tpu.dma_semaphore, #tpu.memory_space<semaphore_mem>>)
      %scan3A = arith.constant 0 : i32
      %scan3A_48 = arith.constant 0 : i32
      %scan3A_49 = arith.constant 157 : i32
      %scan3A_50 = arith.addi %scan3A_48, %scan3A_49 : i32
      %scan3A_51 = arith.constant 1 : i32
      scf.for %scan3A_64 = %scan3A_48 to %scan3A_50 step %scan3A_51  : i32 {
        %jit3A = arith.constant 4 : i32
        %eq3A_65 = arith.constant 0 : i32
        %eq3A_66 = arith.cmpi eq, %jit3A, %eq3A_65 : i32
        %jit3A_67 = arith.constant 1 : i32
        %select_n3A = arith.select %eq3A_66, %jit3A_67, %jit3A : i32
        %rem3A = arith.remsi %scan3A_64, %select_n3A : i32
        %ne3A = arith.constant 0 : i32
        %ne3A_68 = arith.cmpi ne, %rem3A, %ne3A : i32
        %lt3A = arith.constant 0 : i32
        %lt3A_69 = arith.cmpi slt, %rem3A, %lt3A : i32
        %lt3A_70 = arith.constant 0 : i32
        %lt3A_71 = arith.cmpi slt, %select_n3A, %lt3A_70 : i32
        %ne3A_72 = arith.xori %lt3A_69, %lt3A_71 : i1
        %and3A = arith.andi %ne3A_72, %ne3A_68 : i1
        %add3A = arith.addi %rem3A, %select_n3A : i32
        %select_n3A_73 = arith.select %and3A, %add3A, %rem3A : i32
        %dma_wait3A_74 = arith.constant 0 : i32
        %dma_wait3A_75 = arith.constant 0 : i32
        %dma_wait3A_76 = tpu.memref_slice %arg13[%select_n3A_73, %dma_wait3A_74, %dma_wait3A_75] : memref<4x128x64xf32, #tpu.memory_space<vmem>> -> memref<1x128x64xf32, #tpu.memory_space<vmem>>
        %dma_wait3A_77 = tpu.memref_squeeze %dma_wait3A_76 : memref<1x128x64xf32, #tpu.memory_space<vmem>> -> memref<128x64xf32, #tpu.memory_space<vmem>>
        %dma_wait3A_78 = arith.constant 0 : i32
        %dma_wait3A_79 = tpu.memref_slice %arg11[%scan3A_64, %dma_wait3A_78] : memref<157x128xi32, #tpu.memory_space<vmem>> -> memref<1x128xi32, #tpu.memory_space<vmem>>
        %dma_wait3A_80 = tpu.memref_squeeze %dma_wait3A_79 : memref<1x128xi32, #tpu.memory_space<vmem>> -> memref<128xi32, #tpu.memory_space<vmem>>
        %dma_wait3A_81 = arith.constant 0 : i32
        %dma_wait3A_82 = arith.constant 0 : i32
        %dma_wait3A_83 = tpu.memref_slice %arg3[%dma_wait3A_81, %dma_wait3A_82] : memref<10000x64xf32, #tpu.memory_space<hbm>> -> memref<10000x64xf32, #tpu.memory_space<hbm>>
        tpu.wait_indirect_dma semaphore(%arg17 : memref<!tpu.dma_semaphore, #tpu.memory_space<semaphore_mem>>) src(%dma_wait3A_83 : memref<10000x64xf32, #tpu.memory_space<hbm>>) dst(%dma_wait3A_77 : memref<128x64xf32, #tpu.memory_space<vmem>>)
        %ge3A = arith.constant 1 : i32
        %ge3A_84 = arith.cmpi sge, %scan3A_64, %ge3A : i32
        %convert_element_type3A_85 = arith.extui %ge3A_84 : i1 to i32
        %cond3A_86 = arith.constant 0 : i32
        %cond3A_87 = arith.cmpi ne, %convert_element_type3A_85, %cond3A_86 : i32
        scf.if %cond3A_87 {
          %sub3A = arith.constant 1 : i32
          %sub3A_128 = arith.subi %scan3A_64, %sub3A : i32
          %jit3A_129 = arith.constant 4 : i32
          %eq3A_130 = arith.constant 0 : i32
          %eq3A_131 = arith.cmpi eq, %jit3A_129, %eq3A_130 : i32
          %jit3A_132 = arith.constant 1 : i32
          %select_n3A_133 = arith.select %eq3A_131, %jit3A_132, %jit3A_129 : i32
          %rem3A_134 = arith.remsi %sub3A_128, %select_n3A_133 : i32
          %ne3A_135 = arith.constant 0 : i32
          %ne3A_136 = arith.cmpi ne, %rem3A_134, %ne3A_135 : i32
          %lt3A_137 = arith.constant 0 : i32
          %lt3A_138 = arith.cmpi slt, %rem3A_134, %lt3A_137 : i32
          %lt3A_139 = arith.constant 0 : i32
          %lt3A_140 = arith.cmpi slt, %select_n3A_133, %lt3A_139 : i32
          %ne3A_141 = arith.xori %lt3A_138, %lt3A_140 : i1
          %and3A_142 = arith.andi %ne3A_141, %ne3A_136 : i1
          %add3A_143 = arith.addi %rem3A_134, %select_n3A_133 : i32
          %select_n3A_144 = arith.select %and3A_142, %add3A_143, %rem3A_134 : i32
          %sub3A_145 = arith.constant 1 : i32
          %sub3A_146 = arith.subi %scan3A_64, %sub3A_145 : i32
          %dma_wait3A_147 = arith.constant 0 : i32
          %dma_wait3A_148 = arith.constant 0 : i32
          %dma_wait3A_149 = tpu.memref_slice %arg13[%select_n3A_144, %dma_wait3A_147, %dma_wait3A_148] : memref<4x128x64xf32, #tpu.memory_space<vmem>> -> memref<1x128x64xf32, #tpu.memory_space<vmem>>
          %dma_wait3A_150 = tpu.memref_squeeze %dma_wait3A_149 : memref<1x128x64xf32, #tpu.memory_space<vmem>> -> memref<128x64xf32, #tpu.memory_space<vmem>>
          %dma_wait3A_151 = arith.constant 0 : i32
          %dma_wait3A_152 = tpu.memref_slice %arg12[%sub3A_146, %dma_wait3A_151] : memref<157x128xi32, #tpu.memory_space<vmem>> -> memref<1x128xi32, #tpu.memory_space<vmem>>
          %dma_wait3A_153 = tpu.memref_squeeze %dma_wait3A_152 : memref<1x128xi32, #tpu.memory_space<vmem>> -> memref<128xi32, #tpu.memory_space<vmem>>
          %dma_wait3A_154 = arith.constant 0 : i32
          %dma_wait3A_155 = arith.constant 0 : i32
          %dma_wait3A_156 = tpu.memref_slice %arg15[%dma_wait3A_154, %dma_wait3A_155] : memref<10240x64xf32, #tpu.memory_space<vmem_shared>> -> memref<10240x64xf32, #tpu.memory_space<vmem_shared>>
          tpu.wait_indirect_dma semaphore(%arg18 : memref<!tpu.dma_semaphore, #tpu.memory_space<semaphore_mem>>) src(%dma_wait3A_150 : memref<128x64xf32, #tpu.memory_space<vmem>>) dst(%dma_wait3A_156 : memref<10240x64xf32, #tpu.memory_space<vmem_shared>>)
        } else {
        }
        %add3A_88 = arith.constant 3 : i32
        %add3A_89 = arith.addi %scan3A_64, %add3A_88 : i32
        %lt3A_90 = arith.constant 157 : i32
        %lt3A_91 = arith.cmpi slt, %add3A_89, %lt3A_90 : i32
        %convert_element_type3A_92 = arith.extui %lt3A_91 : i1 to i32
        %cond3A_93 = arith.constant 0 : i32
        %cond3A_94 = arith.cmpi ne, %convert_element_type3A_92, %cond3A_93 : i32
        scf.if %cond3A_94 {
          %add3A_128 = arith.constant 3 : i32
          %add3A_129 = arith.addi %scan3A_64, %add3A_128 : i32
          %add3A_130 = arith.constant 3 : i32
          %add3A_131 = arith.addi %scan3A_64, %add3A_130 : i32
          %jit3A_132 = arith.constant 4 : i32
          %eq3A_133 = arith.constant 0 : i32
          %eq3A_134 = arith.cmpi eq, %jit3A_132, %eq3A_133 : i32
          %jit3A_135 = arith.constant 1 : i32
          %select_n3A_136 = arith.select %eq3A_134, %jit3A_135, %jit3A_132 : i32
          %rem3A_137 = arith.remsi %add3A_131, %select_n3A_136 : i32
          %ne3A_138 = arith.constant 0 : i32
          %ne3A_139 = arith.cmpi ne, %rem3A_137, %ne3A_138 : i32
          %lt3A_140 = arith.constant 0 : i32
          %lt3A_141 = arith.cmpi slt, %rem3A_137, %lt3A_140 : i32
          %lt3A_142 = arith.constant 0 : i32
          %lt3A_143 = arith.cmpi slt, %select_n3A_136, %lt3A_142 : i32
          %ne3A_144 = arith.xori %lt3A_141, %lt3A_143 : i1
          %and3A_145 = arith.andi %ne3A_144, %ne3A_139 : i1
          %add3A_146 = arith.addi %rem3A_137, %select_n3A_136 : i32
          %select_n3A_147 = arith.select %and3A_145, %add3A_146, %rem3A_137 : i32
          %dma_start3A_148 = arith.constant 0 : i32
          %dma_start3A_149 = arith.constant 0 : i32
          %dma_start3A_150 = tpu.memref_slice %arg13[%select_n3A_147, %dma_start3A_148, %dma_start3A_149] : memref<4x128x64xf32, #tpu.memory_space<vmem>> -> memref<1x128x64xf32, #tpu.memory_space<vmem>>
          %dma_start3A_151 = tpu.memref_squeeze %dma_start3A_150 : memref<1x128x64xf32, #tpu.memory_space<vmem>> -> memref<128x64xf32, #tpu.memory_space<vmem>>
          %dma_start3A_152 = arith.constant 0 : i32
          %dma_start3A_153 = tpu.memref_slice %arg11[%add3A_129, %dma_start3A_152] : memref<157x128xi32, #tpu.memory_space<vmem>> -> memref<1x128xi32, #tpu.memory_space<vmem>>
          %dma_start3A_154 = tpu.memref_squeeze %dma_start3A_153 : memref<1x128xi32, #tpu.memory_space<vmem>> -> memref<128xi32, #tpu.memory_space<vmem>>
          %dma_start3A_155 = arith.constant 0 : i32
          %dma_start3A_156 = arith.constant 0 : i32
          %dma_start3A_157 = tpu.memref_slice %arg3[%dma_start3A_155, %dma_start3A_156] : memref<10000x64xf32, #tpu.memory_space<hbm>> -> memref<10000x64xf32, #tpu.memory_space<hbm>>
          tpu.enqueue_indirect_dma source(%dma_start3A_157 : memref<10000x64xf32, #tpu.memory_space<hbm>>) target(%dma_start3A_151 : memref<128x64xf32, #tpu.memory_space<vmem>>) offsets(%dma_start3A_154 : memref<128xi32, #tpu.memory_space<vmem>>) semaphore(%arg17 : memref<!tpu.dma_semaphore, #tpu.memory_space<semaphore_mem>>)
        } else {
        }
        %jit3A_95 = arith.constant 4 : i32
        %eq3A_96 = arith.constant 0 : i32
        %eq3A_97 = arith.cmpi eq, %jit3A_95, %eq3A_96 : i32
        %jit3A_98 = arith.constant 1 : i32
        %select_n3A_99 = arith.select %eq3A_97, %jit3A_98, %jit3A_95 : i32
        %rem3A_100 = arith.remsi %scan3A_64, %select_n3A_99 : i32
        %ne3A_101 = arith.constant 0 : i32
        %ne3A_102 = arith.cmpi ne, %rem3A_100, %ne3A_101 : i32
        %lt3A_103 = arith.constant 0 : i32
        %lt3A_104 = arith.cmpi slt, %rem3A_100, %lt3A_103 : i32
        %lt3A_105 = arith.constant 0 : i32
        %lt3A_106 = arith.cmpi slt, %select_n3A_99, %lt3A_105 : i32
        %ne3A_107 = arith.xori %lt3A_104, %lt3A_106 : i1
        %and3A_108 = arith.andi %ne3A_107, %ne3A_102 : i1
        %add3A_109 = arith.addi %rem3A_100, %select_n3A_99 : i32
        %select_n3A_110 = arith.select %and3A_108, %add3A_109, %rem3A_100 : i32
        %dma_start3A_111 = arith.constant 0 : i32
        %dma_start3A_112 = arith.constant 0 : i32
        %dma_start3A_113 = tpu.memref_slice %arg13[%select_n3A_110, %dma_start3A_111, %dma_start3A_112] : memref<4x128x64xf32, #tpu.memory_space<vmem>> -> memref<1x128x64xf32, #tpu.memory_space<vmem>>
        %dma_start3A_114 = tpu.memref_squeeze %dma_start3A_113 : memref<1x128x64xf32, #tpu.memory_space<vmem>> -> memref<128x64xf32, #tpu.memory_space<vmem>>
        %dma_start3A_115 = arith.constant 0 : i32
        %dma_start3A_116 = tpu.memref_slice %arg12[%scan3A_64, %dma_start3A_115] : memref<157x128xi32, #tpu.memory_space<vmem>> -> memref<1x128xi32, #tpu.memory_space<vmem>>
        %dma_start3A_117 = tpu.memref_squeeze %dma_start3A_116 : memref<1x128xi32, #tpu.memory_space<vmem>> -> memref<128xi32, #tpu.memory_space<vmem>>
        %dma_start3A_118 = arith.constant 0 : i32
        %dma_start3A_119 = arith.constant 0 : i32
        %dma_start3A_120 = tpu.memref_slice %arg15[%dma_start3A_118, %dma_start3A_119] : memref<10240x64xf32, #tpu.memory_space<vmem_shared>> -> memref<10240x64xf32, #tpu.memory_space<vmem_shared>>
        tpu.enqueue_indirect_dma source(%dma_start3A_114 : memref<128x64xf32, #tpu.memory_space<vmem>>) target(%dma_start3A_120 : memref<10240x64xf32, #tpu.memory_space<vmem_shared>>) offsets(%dma_start3A_117 : memref<128xi32, #tpu.memory_space<vmem>>) semaphore(%arg18 : memref<!tpu.dma_semaphore, #tpu.memory_space<semaphore_mem>>) {add = true}
        %rem3A_121 = arith.constant 2 : i32
        %rem3A_122 = arith.remsi %scan3A_64, %rem3A_121 : i32
        %eq3A_123 = arith.constant 1 : i32
        %eq3A_124 = arith.cmpi eq, %rem3A_122, %eq3A_123 : i32
        %convert_element_type3A_125 = arith.extui %eq3A_124 : i1 to i32
        %cond3A_126 = arith.constant 0 : i32
        %cond3A_127 = arith.cmpi ne, %convert_element_type3A_125, %cond3A_126 : i32
        scf.if %cond3A_127 {
          "tpu.region"() ({
            %run_scoped3A = tpu.sem_alloc : memref<!tpu.dma_semaphore, #tpu.memory_space<semaphore_mem>>
            %dma_start3A_128 = arith.constant 0 : i32
            %dma_start3A_129 = tpu.memref_slice %arg12[%scan3A_64, %dma_start3A_128] : memref<157x128xi32, #tpu.memory_space<vmem>> -> memref<1x128xi32, #tpu.memory_space<vmem>>
            %dma_start3A_130 = tpu.memref_squeeze %dma_start3A_129 : memref<1x128xi32, #tpu.memory_space<vmem>> -> memref<128xi32, #tpu.memory_space<vmem>>
            %dma_start3A_131 = arith.constant 0 : i32
            %dma_start3A_132 = arith.constant 0 : i32
            %dma_start3A_133 = tpu.memref_slice %arg16[%dma_start3A_131, %dma_start3A_132] : memref<10240x16xf32, #tpu.memory_space<vmem_shared>> -> memref<10240x16xf32, #tpu.memory_space<vmem_shared>>
            tpu.enqueue_indirect_dma source(%arg14 : memref<128x16xf32, #tpu.memory_space<vmem>>) target(%dma_start3A_133 : memref<10240x16xf32, #tpu.memory_space<vmem_shared>>) offsets(%dma_start3A_130 : memref<128xi32, #tpu.memory_space<vmem>>) semaphore(%run_scoped3A : memref<!tpu.dma_semaphore, #tpu.memory_space<semaphore_mem>>) {add = true}
            %dma_wait3A_134 = arith.constant 0 : i32
            %dma_wait3A_135 = tpu.memref_slice %arg12[%scan3A_64, %dma_wait3A_134] : memref<157x128xi32, #tpu.memory_space<vmem>> -> memref<1x128xi32, #tpu.memory_space<vmem>>
            %dma_wait3A_136 = tpu.memref_squeeze %dma_wait3A_135 : memref<1x128xi32, #tpu.memory_space<vmem>> -> memref<128xi32, #tpu.memory_space<vmem>>
            %dma_wait3A_137 = arith.constant 0 : i32
            %dma_wait3A_138 = arith.constant 0 : i32
            %dma_wait3A_139 = tpu.memref_slice %arg16[%dma_wait3A_137, %dma_wait3A_138] : memref<10240x16xf32, #tpu.memory_space<vmem_shared>> -> memref<10240x16xf32, #tpu.memory_space<vmem_shared>>
            tpu.wait_indirect_dma semaphore(%run_scoped3A : memref<!tpu.dma_semaphore, #tpu.memory_space<semaphore_mem>>) src(%arg14 : memref<128x16xf32, #tpu.memory_space<vmem>>) dst(%dma_wait3A_139 : memref<10240x16xf32, #tpu.memory_space<vmem_shared>>)
            tpu.yield
          }) : () -> ()
        } else {
        }
      }
      %scan3A_52 = arith.constant 157 : i32
      %dma_wait3A = arith.constant 0 : i32
      %dma_wait3A_53 = arith.constant 156 : i32
      %dma_wait3A_54 = arith.constant 0 : i32
      %dma_wait3A_55 = arith.constant 0 : i32
      %dma_wait3A_56 = tpu.memref_slice %arg13[%dma_wait3A, %dma_wait3A_54, %dma_wait3A_55] : memref<4x128x64xf32, #tpu.memory_space<vmem>> -> memref<1x128x64xf32, #tpu.memory_space<vmem>>
      %dma_wait3A_57 = tpu.memref_squeeze %dma_wait3A_56 : memref<1x128x64xf32, #tpu.memory_space<vmem>> -> memref<128x64xf32, #tpu.memory_space<vmem>>
      %dma_wait3A_58 = arith.constant 0 : i32
      %dma_wait3A_59 = tpu.memref_slice %arg12[%dma_wait3A_53, %dma_wait3A_58] : memref<157x128xi32, #tpu.memory_space<vmem>> -> memref<1x128xi32, #tpu.memory_space<vmem>>
      %dma_wait3A_60 = tpu.memref_squeeze %dma_wait3A_59 : memref<1x128xi32, #tpu.memory_space<vmem>> -> memref<128xi32, #tpu.memory_space<vmem>>
      %dma_wait3A_61 = arith.constant 0 : i32
      %dma_wait3A_62 = arith.constant 0 : i32
      %dma_wait3A_63 = tpu.memref_slice %arg15[%dma_wait3A_61, %dma_wait3A_62] : memref<10240x64xf32, #tpu.memory_space<vmem_shared>> -> memref<10240x64xf32, #tpu.memory_space<vmem_shared>>
      tpu.wait_indirect_dma semaphore(%arg18 : memref<!tpu.dma_semaphore, #tpu.memory_space<semaphore_mem>>) src(%dma_wait3A_57 : memref<128x64xf32, #tpu.memory_space<vmem>>) dst(%dma_wait3A_63 : memref<10240x64xf32, #tpu.memory_space<vmem_shared>>)
    } else {
    }
    %barrier3A_10 = arith.constant 0 : index
    tpu.barrier barrier_id(%barrier3A_10)
    %mul3A_11 = arith.constant 640 : i32
    %mul3A_12 = arith.muli %arg1, %mul3A_11 : i32
    "tpu.region"() ({
      %run_scoped3A = tpu.sem_alloc : memref<!tpu.dma_semaphore, #tpu.memory_space<semaphore_mem>>
      %dma_start3A = arith.constant 0 : i32
      %dma_start3A_13 = tpu.memref_slice %arg9[%arg0, %mul3A_12, %dma_start3A] : memref<2x10240x64xf32, #tpu.memory_space<hbm>> -> memref<1x640x64xf32, #tpu.memory_space<hbm>>
      %dma_start3A_14 = tpu.memref_squeeze %dma_start3A_13 : memref<1x640x64xf32, #tpu.memory_space<hbm>> -> memref<640x64xf32, #tpu.memory_space<hbm>>
      %dma_start3A_15 = arith.constant 0 : i32
      %dma_start3A_16 = tpu.memref_slice %arg15[%mul3A_12, %dma_start3A_15] : memref<10240x64xf32, #tpu.memory_space<vmem_shared>> -> memref<640x64xf32, #tpu.memory_space<vmem_shared>>
      tpu.enqueue_dma source(%dma_start3A_16 : memref<640x64xf32, #tpu.memory_space<vmem_shared>>) target(%dma_start3A_14 : memref<640x64xf32, #tpu.memory_space<hbm>>) target_semaphore(%run_scoped3A : memref<!tpu.dma_semaphore, #tpu.memory_space<semaphore_mem>>)
      %dma_wait3A = arith.constant 0 : i32
      %dma_wait3A_17 = tpu.memref_slice %arg9[%arg0, %mul3A_12, %dma_wait3A] : memref<2x10240x64xf32, #tpu.memory_space<hbm>> -> memref<1x640x64xf32, #tpu.memory_space<hbm>>
      %dma_wait3A_18 = tpu.memref_squeeze %dma_wait3A_17 : memref<1x640x64xf32, #tpu.memory_space<hbm>> -> memref<640x64xf32, #tpu.memory_space<hbm>>
      %dma_wait3A_19 = arith.constant 0 : i32
      %dma_wait3A_20 = tpu.memref_slice %arg15[%mul3A_12, %dma_wait3A_19] : memref<10240x64xf32, #tpu.memory_space<vmem_shared>> -> memref<640x64xf32, #tpu.memory_space<vmem_shared>>
      tpu.wait_dma2 semaphore(%run_scoped3A : memref<!tpu.dma_semaphore, #tpu.memory_space<semaphore_mem>>) src(%dma_wait3A_20 : memref<640x64xf32, #tpu.memory_space<vmem_shared>>) dst(%dma_wait3A_18 : memref<640x64xf32, #tpu.memory_space<hbm>>)
      tpu.yield
    }) : () -> ()
    "tpu.region"() ({
      %run_scoped3A = tpu.sem_alloc : memref<!tpu.dma_semaphore, #tpu.memory_space<semaphore_mem>>
      %dma_start3A = arith.constant 0 : i32
      %dma_start3A_13 = tpu.memref_slice %arg10[%arg0, %mul3A_12, %dma_start3A] : memref<2x10240x16xf32, #tpu.memory_space<hbm>> -> memref<1x640x16xf32, #tpu.memory_space<hbm>>
      %dma_start3A_14 = tpu.memref_squeeze %dma_start3A_13 : memref<1x640x16xf32, #tpu.memory_space<hbm>> -> memref<640x16xf32, #tpu.memory_space<hbm>>
      %dma_start3A_15 = arith.constant 0 : i32
      %dma_start3A_16 = tpu.memref_slice %arg16[%mul3A_12, %dma_start3A_15] : memref<10240x16xf32, #tpu.memory_space<vmem_shared>> -> memref<640x16xf32, #tpu.memory_space<vmem_shared>>
      tpu.enqueue_dma source(%dma_start3A_16 : memref<640x16xf32, #tpu.memory_space<vmem_shared>>) target(%dma_start3A_14 : memref<640x16xf32, #tpu.memory_space<hbm>>) target_semaphore(%run_scoped3A : memref<!tpu.dma_semaphore, #tpu.memory_space<semaphore_mem>>)
      %dma_wait3A = arith.constant 0 : i32
      %dma_wait3A_17 = tpu.memref_slice %arg10[%arg0, %mul3A_12, %dma_wait3A] : memref<2x10240x16xf32, #tpu.memory_space<hbm>> -> memref<1x640x16xf32, #tpu.memory_space<hbm>>
      %dma_wait3A_18 = tpu.memref_squeeze %dma_wait3A_17 : memref<1x640x16xf32, #tpu.memory_space<hbm>> -> memref<640x16xf32, #tpu.memory_space<hbm>>
      %dma_wait3A_19 = arith.constant 0 : i32
      %dma_wait3A_20 = tpu.memref_slice %arg16[%mul3A_12, %dma_wait3A_19] : memref<10240x16xf32, #tpu.memory_space<vmem_shared>> -> memref<640x16xf32, #tpu.memory_space<vmem_shared>>
      tpu.wait_dma2 semaphore(%run_scoped3A : memref<!tpu.dma_semaphore, #tpu.memory_space<semaphore_mem>>) src(%dma_wait3A_20 : memref<640x16xf32, #tpu.memory_space<vmem_shared>>) dst(%dma_wait3A_18 : memref<640x16xf32, #tpu.memory_space<hbm>>)
      tpu.yield
    }) : () -> ()
    return
  }
}

module attributes {stable_mosaic.version = 14 : i64} {
  func.func @_tc_layer1_body(%arg0: i32, %arg1: memref<2x1000x64xf32, #tpu.memory_space<vmem>>, %arg2: memref<2x1000x16xf32, #tpu.memory_space<vmem>>, %arg3: memref<1000x128xf32, #tpu.memory_space<vmem>>, %arg4: memref<128x128xf32, #tpu.memory_space<vmem>>, %arg5: memref<128x128xf32, #tpu.memory_space<vmem>>, %arg6: memref<1x128xf32, #tpu.memory_space<vmem>>, %arg7: memref<16x128xf32, #tpu.memory_space<vmem>>, %arg8: memref<16x128xf32, #tpu.memory_space<vmem>>, %arg9: memref<1x16xf32, #tpu.memory_space<vmem>>, %arg10: memref<1000x16xf32, #tpu.memory_space<vmem>>, %arg11: memref<1000x16xf32, #tpu.memory_space<vmem>>) attributes {dimension_semantics = [#tpu.dimension_semantics<arbitrary>], iteration_bounds = array<i64: 10>, scalar_prefetch = 0 : i64, scratch_operands = 0 : i64, tpu.core_type = #tpu.core_type<tc>, window_params = [{transform_indices = @transform_0, window_bounds = array<i64: 2, 1000, 64>}, {transform_indices = @transform_1, window_bounds = array<i64: 2, 1000, 16>}, {transform_indices = @transform_2, window_bounds = array<i64: 1000, 128>}, {pipeline_mode = #tpu.pipeline_mode<synchronous>, transform_indices = @transform_3, window_bounds = array<i64: 128, 128>}, {pipeline_mode = #tpu.pipeline_mode<synchronous>, transform_indices = @transform_4, window_bounds = array<i64: 128, 128>}, {pipeline_mode = #tpu.pipeline_mode<synchronous>, transform_indices = @transform_5, window_bounds = array<i64: 1, 128>}, {pipeline_mode = #tpu.pipeline_mode<synchronous>, transform_indices = @transform_6, window_bounds = array<i64: 16, 128>}, {pipeline_mode = #tpu.pipeline_mode<synchronous>, transform_indices = @transform_7, window_bounds = array<i64: 16, 128>}, {pipeline_mode = #tpu.pipeline_mode<synchronous>, transform_indices = @transform_8, window_bounds = array<i64: 1, 16>}, {transform_indices = @transform_9, window_bounds = array<i64: 1000, 16>}, {transform_indices = @transform_10, window_bounds = array<i64: 1000, 16>}]} {
    %get3A = arith.constant 0 : index
    %get3A_0 = arith.constant 0 : index
    %get3A_1 = arith.constant 0 : index
    %get3A_2 = vector.load %arg1[%get3A, %get3A_0, %get3A_1] : memref<2x1000x64xf32, #tpu.memory_space<vmem>>, vector<1x1000x64xf32>
    %get3A_3 = vector.shape_cast %get3A_2 : vector<1x1000x64xf32> to vector<1000x64xf32>
    %get3A_4 = arith.constant 1 : index
    %get3A_5 = arith.constant 0 : index
    %get3A_6 = arith.constant 0 : index
    %get3A_7 = vector.load %arg1[%get3A_4, %get3A_5, %get3A_6] : memref<2x1000x64xf32, #tpu.memory_space<vmem>>, vector<1x1000x64xf32>
    %get3A_8 = vector.shape_cast %get3A_7 : vector<1x1000x64xf32> to vector<1000x64xf32>
    %concatenate3A = tpu.concatenate %get3A_3, %get3A_8 in 1 : vector<1000x64xf32>, vector<1000x64xf32> -> vector<1000x128xf32>
    %get3A_9 = arith.constant 0 : index
    %get3A_10 = arith.constant 0 : index
    %get3A_11 = arith.constant 0 : index
    %get3A_12 = vector.load %arg2[%get3A_9, %get3A_10, %get3A_11] : memref<2x1000x16xf32, #tpu.memory_space<vmem>>, vector<1x1000x1xf32>
    %get3A_13 = vector.shape_cast %get3A_12 : vector<1x1000x1xf32> to vector<1000x1xf32>
    %get3A_14 = arith.constant 1 : index
    %get3A_15 = arith.constant 0 : index
    %get3A_16 = arith.constant 0 : index
    %get3A_17 = vector.load %arg2[%get3A_14, %get3A_15, %get3A_16] : memref<2x1000x16xf32, #tpu.memory_space<vmem>>, vector<1x1000x1xf32>
    %get3A_18 = vector.shape_cast %get3A_17 : vector<1x1000x1xf32> to vector<1000x1xf32>
    %add3A = arith.addf %get3A_13, %get3A_18 : vector<1000x1xf32>
    %max3A = arith.constant 1.000000e+00 : f32
    %max3A_19 = vector.broadcast %max3A : f32 to vector<1000x1xf32>
    %max3A_20 = arith.maximumf %add3A, %max3A_19 : vector<1000x1xf32>
    %div3A = vector.broadcast %max3A_20 : vector<1000x1xf32> to vector<1000x128xf32>
    %div3A_21 = arith.divf %concatenate3A, %div3A : vector<1000x128xf32>
    %get3A_22 = arith.constant 0 : index
    %get3A_23 = arith.constant 0 : index
    %get3A_24 = vector.load %arg4[%get3A_22, %get3A_23] : memref<128x128xf32, #tpu.memory_space<vmem>>, vector<128x128xf32>
    %dot_general3A = arith.constant dense<0.000000e+00> : vector<1000x128xf32>
    %dot_general3A_25 = tpu.matmul %div3A_21, %get3A_24, %dot_general3A {dimension_numbers = #tpu.dot_dimension_numbers<[1], [1], [0], [0], [0, 0, 1, 0], [], []>, transpose_lhs_hint = false} : vector<1000x128xf32>, vector<128x128xf32>, vector<1000x128xf32> -> vector<1000x128xf32>
    %get3A_26 = arith.constant 0 : index
    %get3A_27 = arith.constant 0 : index
    %get3A_28 = vector.load %arg6[%get3A_26, %get3A_27] : memref<1x128xf32, #tpu.memory_space<vmem>>, vector<1x128xf32>
    %add3A_29 = vector.broadcast %get3A_28 : vector<1x128xf32> to vector<1000x128xf32>
    %add3A_30 = arith.addf %dot_general3A_25, %add3A_29 : vector<1000x128xf32>
    %get3A_31 = arith.constant 0 : index
    %get3A_32 = arith.constant 0 : index
    %get3A_33 = vector.load %arg3[%get3A_31, %get3A_32] : memref<1000x128xf32, #tpu.memory_space<vmem>>, vector<1000x128xf32>
    %get3A_34 = arith.constant 0 : index
    %get3A_35 = arith.constant 0 : index
    %get3A_36 = vector.load %arg5[%get3A_34, %get3A_35] : memref<128x128xf32, #tpu.memory_space<vmem>>, vector<128x128xf32>
    %dot_general3A_37 = arith.constant dense<0.000000e+00> : vector<1000x128xf32>
    %dot_general3A_38 = tpu.matmul %get3A_33, %get3A_36, %dot_general3A_37 {dimension_numbers = #tpu.dot_dimension_numbers<[1], [1], [0], [0], [0, 0, 1, 0], [], []>, transpose_lhs_hint = false} : vector<1000x128xf32>, vector<128x128xf32>, vector<1000x128xf32> -> vector<1000x128xf32>
    %add3A_39 = arith.addf %add3A_30, %dot_general3A_38 : vector<1000x128xf32>
    %max3A_40 = arith.constant 0.000000e+00 : f32
    %max3A_41 = vector.broadcast %max3A_40 : f32 to vector<1000x128xf32>
    %max3A_42 = arith.maximumf %add3A_39, %max3A_41 : vector<1000x128xf32>
    %get3A_43 = arith.constant 0 : index
    %get3A_44 = arith.constant 0 : index
    %get3A_45 = vector.load %arg7[%get3A_43, %get3A_44] : memref<16x128xf32, #tpu.memory_space<vmem>>, vector<16x128xf32>
    %dot_general3A_46 = arith.constant dense<0.000000e+00> : vector<1000x16xf32>
    %dot_general3A_47 = tpu.matmul %max3A_42, %get3A_45, %dot_general3A_46 {dimension_numbers = #tpu.dot_dimension_numbers<[1], [1], [0], [0], [0, 0, 1, 0], [], []>, transpose_lhs_hint = false} : vector<1000x128xf32>, vector<16x128xf32>, vector<1000x16xf32> -> vector<1000x16xf32>
    %swap3A = arith.constant 0 : index
    %swap3A_48 = arith.constant 0 : index
    %swap3A_49 = vector.load %arg10[%swap3A, %swap3A_48] : memref<1000x16xf32, #tpu.memory_space<vmem>>, vector<1000x16xf32>
    tpu.vector_store %arg10[%swap3A, %swap3A_48], %dot_general3A_47 {strides = array<i32>} : memref<1000x16xf32, #tpu.memory_space<vmem>>, vector<1000x16xf32>,
    %get3A_50 = arith.constant 0 : index
    %get3A_51 = arith.constant 0 : index
    %get3A_52 = vector.load %arg8[%get3A_50, %get3A_51] : memref<16x128xf32, #tpu.memory_space<vmem>>, vector<16x128xf32>
    %dot_general3A_53 = arith.constant dense<0.000000e+00> : vector<1000x16xf32>
    %dot_general3A_54 = tpu.matmul %max3A_42, %get3A_52, %dot_general3A_53 {dimension_numbers = #tpu.dot_dimension_numbers<[1], [1], [0], [0], [0, 0, 1, 0], [], []>, transpose_lhs_hint = false} : vector<1000x128xf32>, vector<16x128xf32>, vector<1000x16xf32> -> vector<1000x16xf32>
    %get3A_55 = arith.constant 0 : index
    %get3A_56 = arith.constant 0 : index
    %get3A_57 = vector.load %arg9[%get3A_55, %get3A_56] : memref<1x16xf32, #tpu.memory_space<vmem>>, vector<1x16xf32>
    %add3A_58 = vector.broadcast %get3A_57 : vector<1x16xf32> to vector<1000x16xf32>
    %add3A_59 = arith.addf %dot_general3A_54, %add3A_58 : vector<1000x16xf32>
    %swap3A_60 = arith.constant 0 : index
    %swap3A_61 = arith.constant 0 : index
    %swap3A_62 = vector.load %arg11[%swap3A_60, %swap3A_61] : memref<1000x16xf32, #tpu.memory_space<vmem>>, vector<1000x16xf32>
    tpu.vector_store %arg11[%swap3A_60, %swap3A_61], %add3A_59 {strides = array<i32>} : memref<1000x16xf32, #tpu.memory_space<vmem>>, vector<1000x16xf32>,
    return
  }
  func.func @transform_0(%arg0: i32) -> (i32, i32, i32) {
    %c0_i32 = arith.constant 0 : i32
    %c0_i32_0 = arith.constant 0 : i32
    %c0_i32_1 = arith.constant 0 : i32
    return %c0_i32, %arg0, %c0_i32_0 : i32, i32, i32
  }
  func.func @transform_1(%arg0: i32) -> (i32, i32, i32) {
    %c0_i32 = arith.constant 0 : i32
    %c0_i32_0 = arith.constant 0 : i32
    %c0_i32_1 = arith.constant 0 : i32
    return %c0_i32, %arg0, %c0_i32_0 : i32, i32, i32
  }
  func.func @transform_2(%arg0: i32) -> (i32, i32) {
    %c0_i32 = arith.constant 0 : i32
    %c0_i32_0 = arith.constant 0 : i32
    return %arg0, %c0_i32 : i32, i32
  }
  func.func @transform_3(%arg0: i32) -> (i32, i32) {
    %c0_i32 = arith.constant 0 : i32
    %c0_i32_0 = arith.constant 0 : i32
    %c0_i32_1 = arith.constant 0 : i32
    return %c0_i32, %c0_i32_0 : i32, i32
  }
  func.func @transform_4(%arg0: i32) -> (i32, i32) {
    %c0_i32 = arith.constant 0 : i32
    %c0_i32_0 = arith.constant 0 : i32
    %c0_i32_1 = arith.constant 0 : i32
    return %c0_i32, %c0_i32_0 : i32, i32
  }
  func.func @transform_5(%arg0: i32) -> (i32, i32) {
    %c0_i32 = arith.constant 0 : i32
    %c0_i32_0 = arith.constant 0 : i32
    %c0_i32_1 = arith.constant 0 : i32
    return %c0_i32, %c0_i32_0 : i32, i32
  }
  func.func @transform_6(%arg0: i32) -> (i32, i32) {
    %c0_i32 = arith.constant 0 : i32
    %c0_i32_0 = arith.constant 0 : i32
    %c0_i32_1 = arith.constant 0 : i32
    return %c0_i32, %c0_i32_0 : i32, i32
  }
  func.func @transform_7(%arg0: i32) -> (i32, i32) {
    %c0_i32 = arith.constant 0 : i32
    %c0_i32_0 = arith.constant 0 : i32
    %c0_i32_1 = arith.constant 0 : i32
    return %c0_i32, %c0_i32_0 : i32, i32
  }
  func.func @transform_8(%arg0: i32) -> (i32, i32) {
    %c0_i32 = arith.constant 0 : i32
    %c0_i32_0 = arith.constant 0 : i32
    %c0_i32_1 = arith.constant 0 : i32
    return %c0_i32, %c0_i32_0 : i32, i32
  }
  func.func @transform_9(%arg0: i32) -> (i32, i32) {
    %c0_i32 = arith.constant 0 : i32
    %c0_i32_0 = arith.constant 0 : i32
    return %arg0, %c0_i32 : i32, i32
  }
  func.func @transform_10(%arg0: i32) -> (i32, i32) {
    %c0_i32 = arith.constant 0 : i32
    %c0_i32_0 = arith.constant 0 : i32
    return %arg0, %c0_i32 : i32, i32
  }
}

module attributes {stable_mosaic.version = 14 : i64} {
  func.func @_tc_layer2_body(%arg0: i32, %arg1: memref<2x1000x16xf32, #tpu.memory_space<vmem>>, %arg2: memref<2x1000x16xf32, #tpu.memory_space<vmem>>, %arg3: memref<1000x16xf32, #tpu.memory_space<vmem>>, %arg4: memref<1000x2xf32, #tpu.memory_space<vmem>>) attributes {dimension_semantics = [#tpu.dimension_semantics<arbitrary>], iteration_bounds = array<i64: 10>, scalar_prefetch = 0 : i64, scratch_operands = 0 : i64, tpu.core_type = #tpu.core_type<tc>, window_params = [{transform_indices = @transform_0, window_bounds = array<i64: 2, 1000, 16>}, {transform_indices = @transform_1, window_bounds = array<i64: 2, 1000, 16>}, {transform_indices = @transform_2, window_bounds = array<i64: 1000, 16>}, {transform_indices = @transform_3, window_bounds = array<i64: 1000, 2>}]} {
    %get3A = arith.constant 0 : index
    %get3A_0 = arith.constant 0 : index
    %get3A_1 = arith.constant 0 : index
    %get3A_2 = vector.load %arg1[%get3A, %get3A_0, %get3A_1] : memref<2x1000x16xf32, #tpu.memory_space<vmem>>, vector<1x1000x16xf32>
    %get3A_3 = vector.shape_cast %get3A_2 : vector<1x1000x16xf32> to vector<1000x16xf32>
    %get3A_4 = arith.constant 1 : index
    %get3A_5 = arith.constant 0 : index
    %get3A_6 = arith.constant 0 : index
    %get3A_7 = vector.load %arg1[%get3A_4, %get3A_5, %get3A_6] : memref<2x1000x16xf32, #tpu.memory_space<vmem>>, vector<1x1000x16xf32>
    %get3A_8 = vector.shape_cast %get3A_7 : vector<1x1000x16xf32> to vector<1000x16xf32>
    %add3A = arith.addf %get3A_3, %get3A_8 : vector<1000x16xf32>
    %get3A_9 = arith.constant 0 : index
    %get3A_10 = arith.constant 0 : index
    %get3A_11 = arith.constant 0 : index
    %get3A_12 = vector.load %arg2[%get3A_9, %get3A_10, %get3A_11] : memref<2x1000x16xf32, #tpu.memory_space<vmem>>, vector<1x1000x1xf32>
    %get3A_13 = vector.shape_cast %get3A_12 : vector<1x1000x1xf32> to vector<1000x1xf32>
    %get3A_14 = arith.constant 1 : index
    %get3A_15 = arith.constant 0 : index
    %get3A_16 = arith.constant 0 : index
    %get3A_17 = vector.load %arg2[%get3A_14, %get3A_15, %get3A_16] : memref<2x1000x16xf32, #tpu.memory_space<vmem>>, vector<1x1000x1xf32>
    %get3A_18 = vector.shape_cast %get3A_17 : vector<1x1000x1xf32> to vector<1000x1xf32>
    %add3A_19 = arith.addf %get3A_13, %get3A_18 : vector<1000x1xf32>
    %max3A = arith.constant 1.000000e+00 : f32
    %max3A_20 = vector.broadcast %max3A : f32 to vector<1000x1xf32>
    %max3A_21 = arith.maximumf %add3A_19, %max3A_20 : vector<1000x1xf32>
    %div3A = vector.broadcast %max3A_21 : vector<1000x1xf32> to vector<1000x16xf32>
    %div3A_22 = arith.divf %add3A, %div3A : vector<1000x16xf32>
    %slice3A = vector.extract_strided_slice %div3A_22 {offsets = [0, 0], sizes = [1000, 2], strides = [1, 1]} : vector<1000x16xf32> to vector<1000x2xf32>
    %get3A_23 = arith.constant 0 : index
    %get3A_24 = arith.constant 0 : index
    %get3A_25 = vector.load %arg3[%get3A_23, %get3A_24] : memref<1000x16xf32, #tpu.memory_space<vmem>>, vector<1000x2xf32>
    %add3A_26 = arith.addf %slice3A, %get3A_25 : vector<1000x2xf32>
    %swap3A = arith.constant 0 : index
    %swap3A_27 = arith.constant 0 : index
    %swap3A_28 = vector.load %arg4[%swap3A, %swap3A_27] : memref<1000x2xf32, #tpu.memory_space<vmem>>, vector<1000x2xf32>
    tpu.vector_store %arg4[%swap3A, %swap3A_27], %add3A_26 {strides = array<i32>} : memref<1000x2xf32, #tpu.memory_space<vmem>>, vector<1000x2xf32>,
    return
  }
  func.func @transform_0(%arg0: i32) -> (i32, i32, i32) {
    %c0_i32 = arith.constant 0 : i32
    %c0_i32_0 = arith.constant 0 : i32
    %c0_i32_1 = arith.constant 0 : i32
    return %c0_i32, %arg0, %c0_i32_0 : i32, i32, i32
  }
  func.func @transform_1(%arg0: i32) -> (i32, i32, i32) {
    %c0_i32 = arith.constant 0 : i32
    %c0_i32_0 = arith.constant 0 : i32
    %c0_i32_1 = arith.constant 0 : i32
    return %c0_i32, %arg0, %c0_i32_0 : i32, i32, i32
  }
  func.func @transform_2(%arg0: i32) -> (i32, i32) {
    %c0_i32 = arith.constant 0 : i32
    %c0_i32_0 = arith.constant 0 : i32
    return %arg0, %c0_i32 : i32, i32
  }
  func.func @transform_3(%arg0: i32) -> (i32, i32) {
    %c0_i32 = arith.constant 0 : i32
    %c0_i32_0 = arith.constant 0 : i32
    return %arg0, %c0_i32 : i32, i32
  }
}

</mosaic_0001>

<sc_bundles>
// kernel: kernel.6.cloned.1.call-start
scs
__scs_entry_jumppad:
0x0: {  	(pc) =	sbr.rel $0x88, $3  }
0x1: {  	(tag) =	ssettag $0x0;
	lr =	simm.s32 $0x1  }
0x2: {  	[smem:$0x3F99] =	sst lr;
	_ =	strace $0xD0000000  }
0x3: {  	_ = 	snop  }
0x4: {  	_ = 	snop  }
0x5: {  	_ = 	snop  }
0x6: {  	_ = 	snop  }
0x7: {  	_ = 	snop  }
__scs_overlays_trampoline_lowered:
0x8: {  	[smem:$0x3FA8] =	sst s0  }
0x9: {  	[smem:$0x3FA9] =	sst s1  }
0xa: {  	[smem:$0x3FAA] =	sst s2  }
0xb: {  	[smem:$0x3FAB] =	sst s3  }
0xc: {  	[smem:$0x3FAC] =	sst s4  }
0xd: {  	[smem:$0x3FAD] =	sst s5  }
0xe: {  	[smem:$0x3FAE] =	sst s6  }
0xf: {  	[smem:$0x3FAF] =	sst s7  }
0x10: {  	[smem:$0x3FB0] =	sst s8  }
0x11: {  	[smem:$0x3FB1] =	sst s9;
	s0 =	simm.s32 @!p0 $0x0  }
0x12: {  	s1 =	sld [smem:$0x3F97];
	s0 =	simm.s32 @p0 $0x1  }
0x13: {  	[smem:$0x3FB2] =	sst s0;
	s0 =	simm.s32 @!p1 $0x0  }
0x14: {  	s2 =	sld [smem:$0x3F96];
	s0 =	simm.s32 @p1 $0x1  }
0x15: {  	[smem:$0x3FB3] =	sst s0;
	s0 =	simm.s32 @!p2 $0x0  }
0x16: {  	s3 =	sld [smem:$0x3FDB];
	s0 =	simm.s32 @p2 $0x1  }
0x17: {  	s4 =	simm.s32 $0x1BF5;
	[smem:$0x3FB5] =	sst s0  }
0x18: {  	s0 =	sld [smem:$0x3F98];
	_ =	swait.ge [sflag:s4], $0x0  }
0x19: {  	s7 =	sld [smem:$0x3F99]  }
0x1a: {  	s8 =	sadd.s32 $0xFFFFE003, lr  }
0x1b: {  	s9 =	sadd.s32 $0xFFFFFEF7, lr;
	s5 =	simm.s32 $0xFFFFFFFF;
	p2 =	slt.u32 s8, $0xFFFFF086  }
0x1c: {  	p1 =	slt.u32 s9, $0xF7A;
	s5 =	simm.s32 @!p2 $0x0  }
0x1d: {  	s5 =	simm.s32 @p1 $0x1;
	p0 =	seq.s32 s7, s2  }
0x1e: {  	s7 =	smul.u32 @!p0 $0xF7A, s2;
	p2 =	seq.s32 @!p0 s5, $0x0  }
0x1f: {  	s9 =	smul.u32 $0xF7A, s1;
	s8 =	simm.s32 @!p0 $0x1BF5;
	p2 =	por !p2, p0  }
0x20: {  	[sflag:s8] =	ssyncset.s32 @!p0 $0xFFFFF086;
	s6 =	sadd.s32 @!p0 s3, s7;
	s7 =	simm.s32 @!p0 $0x108  }
0x21: {  	s3 =	sadd.s32 s3, s9;
	s6 =	sadd.s32 @!p0 $0x88, s6;
	s7 =	simm.s32 @p2 $0x1082  }
0x22: {  	[simem:s7], [sflag:s8] =	dma.local @!p0 [hbm:s6], $0xF7A  }
0x23: {  	s9 =	sor.u32 $0xD0000000, s2;
	s6 =	simm.s32 $0x108;
	_ =	swait.ge @!p0 [sflag:s8], $0x0  }
0x24: {  	s3 =	sadd.s32 $0x88, s3;
	s6 =	simm.s32 @!p1 $0x1082;
	[sflag:s4] =	ssyncset.s32 $0xFFFFF086  }
0x25: {  	[simem:s6], [sflag:s4] =	dma.local [hbm:s3], $0xF7A  }
0x26: {  	[smem:$0x3F99] =	sst s1;
	(tag) =	ssettag s2;
	_ =	strace s9  }
0x27: {  	s1 =	sld [smem:$0x3FA9]  }
0x28: {  	s2 =	sld [smem:$0x3FAA]  }
0x29: {  	s4 =	sld [smem:$0x3FAC]  }
0x2a: {  	p0 =	seq.s32 s5, $0x0;
	s5 =	sld [smem:$0x3FAD]  }
0x2b: {  	s6 =	sld [smem:$0x3FAE]  }
0x2c: {  	s7 =	sld [smem:$0x3FAF]  }
0x2d: {  	s3 =	simm.s32 $0x108;
	s8 =	sld [smem:$0x3FB0]  }
0x2e: {  	s3 =	simm.s32 @!p0 $0x1082;
	s9 =	sld [smem:$0x3FB1]  }
0x2f: {  	lr =	sadd.s32 s0, s3;
	s0 =	sld [smem:$0x3FA8]  }
0x30: {  	s3 =	sld [smem:$0x3FAB]  }
0x31: {  	[smem:$0x3FB4] =	sst s10  }
0x32: {  	s10 =	sld [smem:$0x3FB2];
	_ =	sdelay $0x3  }
0x33: {  	p0 =	seq.s32 s10, $0x1;
	s10 =	sld [smem:$0x3FB4];
	_ =	sdelay $0x3  }
0x34: {  	[smem:$0x3FB4] =	sst s10  }
0x35: {  	s10 =	sld [smem:$0x3FB3];
	_ =	sdelay $0x3  }
0x36: {  	p1 =	seq.s32 s10, $0x1;
	s10 =	sld [smem:$0x3FB4];
	_ =	sdelay $0x3  }
0x37: {  	[smem:$0x3FB4] =	sst s10  }
0x38: {  	s10 =	sld [smem:$0x3FB5]  }
0x39: {  	_ = 	snop;
	(pc) =	sbr.ind lr, $3  }
0x3a: {  	_ = 	snop  }
0x3b: {  	_ = 	snop  }
0x3c: {  	p2 =	seq.s32 s10, $0x1;
	s10 =	sld [smem:$0x3FB4]  }
0x3d: {  	_ =	shalt  }
0x3e: {  	_ =	shalt  }
0x3f: {  	_ =	shalt  }
0x40: {  	_ =	shalt  }
0x41: {  	_ =	shalt  }
0x42: {  	_ =	shalt  }
0x43: {  	_ =	shalt  }
0x44: {  	_ =	shalt  }
0x45: {  	_ =	shalt  }
0x46: {  	_ =	shalt  }
0x47: {  	_ =	shalt  }
0x48: {  	_ =	shalt  }
0x49: {  	_ =	shalt  }
0x4a: {  	_ =	shalt  }
0x4b: {  	_ =	shalt  }
0x4c: {  	_ =	shalt  }
0x4d: {  	_ =	shalt  }
0x4e: {  	_ =	shalt  }
0x4f: {  	_ =	shalt  }
0x50: {  	_ =	shalt  }
0x51: {  	_ =	shalt  }
0x52: {  	_ =	shalt  }
0x53: {  	_ =	shalt  }
0x54: {  	_ =	shalt  }
0x55: {  	_ =	shalt  }
0x56: {  	_ =	shalt  }
0x57: {  	_ =	shalt  }
0x58: {  	_ =	shalt  }
0x59: {  	_ =	shalt  }
0x5a: {  	_ =	shalt  }
0x5b: {  	_ =	shalt  }
0x5c: {  	_ =	shalt  }
0x5d: {  	_ =	shalt  }
0x5e: {  	_ =	shalt  }
0x5f: {  	_ =	shalt  }
0x60: {  	_ =	shalt  }
0x61: {  	_ =	shalt  }
0x62: {  	_ =	shalt  }
0x63: {  	_ =	shalt  }
0x64: {  	_ =	shalt  }
0x65: {  	_ =	shalt  }
0x66: {  	_ =	shalt  }
0x67: {  	_ =	shalt  }
0x68: {  	_ =	shalt  }
0x69: {  	_ =	shalt  }
0x6a: {  	_ =	shalt  }
0x6b: {  	_ =	shalt  }
0x6c: {  	_ =	shalt  }
0x6d: {  	_ =	shalt  }
0x6e: {  	_ =	shalt  }
0x6f: {  	_ =	shalt  }
0x70: {  	_ =	shalt  }
0x71: {  	_ =	shalt  }
0x72: {  	_ =	shalt  }
0x73: {  	_ =	shalt  }
0x74: {  	_ =	shalt  }
0x75: {  	_ =	shalt  }
0x76: {  	_ =	shalt  }
0x77: {  	_ =	shalt  }
0x78: {  	_ =	shalt  }
0x79: {  	_ =	shalt  }
0x7a: {  	_ =	shalt  }
0x7b: {  	_ =	shalt  }
0x7c: {  	_ =	shalt  }
0x7d: {  	_ =	shalt  }
0x7e: {  	_ =	shalt  }
0x7f: {  	_ =	shalt  }
0x80: {  	_ =	shalt  }
0x81: {  	_ =	shalt  }
0x82: {  	_ =	shalt  }
0x83: {  	_ =	shalt  }
0x84: {  	_ =	shalt  }
0x85: {  	_ =	shalt  }
0x86: {  	_ =	shalt  }
0x87: {  	_ =	shalt  }
.Lfunc_end0:
.L_simem_size_0:
called_computation_lowered:
.L_overlay_start_0:
0x88: {  	s2 =	sld [smem:$0x3FD9]  }
0x89: {  	s3 =	sld [smem:$0x3FFE];
	_ =	sdelay $0x1  }
0x8a: {  	s1 =	srdreg.scid  }
0x8b: {  	s0 =	sand.u32 $0x1, s1  }
0x8c: {  	s17 =	sshll.u32 s0, $0xA;
	s2 =	sadd.s32 s3, s2  }
0x8d: {  	s2 =	sadd.s32 s2, s17  }
0x8e: {  	[smem:$0x3FC0] =	sst s2  }
0x8f: {  	_ = 	snop  }
0x90: {  	s2 =	sld [smem:$0x3FD0];
	(tm) =	ssettm $0x1  }
0x91: {  	s18 =	sld [smem:$0x3FFB];
	_ =	sdelay $0x3  }
0x92: {  	_ =	strace s18  }
0x93: {  	s3 =	sld [smem:$0x3FFC];
	_ =	sdelay $0x3  }
0x94: {  	_ =	strace s3  }
0x95: {  	s3 =	sld [smem:$0x3FFD];
	_ =	sdelay $0x3  }
0x96: {  	_ =	strace s3  }
0x97: {  	_ =	strace $0x8FFFFFFF  }
0x98: {  	s19 =	sld [smem:$0x3FDB];
	_ =	sdelay $0x1  }
0x99: {  	s4 =	simm.s32 $_scs_section_size  }
0x9a: {  	s5 =	simm.s32 $_size__tile_overlayer_lowered;
	s6 =	simm.s32 $_tile_overlayer_lowered  }
0x9b: {  	s22 =	simm.s32 $0x1BFF;
	s21 =	sshll.u32 s6, $0x1;
	s3 =	sadd.s32 s4, s19  }
0x9c: {  	s7 =	simm.s32 $0x0;
	s20 =	sshll.u32 s5, $0x1;
	s5 =	sadd.s32 s21, s3  }
0x9d: {  	[timem:s7], [sflag:s22] =	dma.local [hbm:s5], s20  }
0x9e: {  	_ =	swait.ge [sflag:s22], s20  }
0x9f: {  	s4 =	ssub.s32 $0x0, s20;
	[sflag:s22] =	ssyncset.done $0x0  }
0xa0: {  	[sflag:s22] =	ssyncadd.s32 s4;
	_ =	sdelay $0x1  }
0xa1: {  	s23 =	simm.s32 $0x1B8B  }
0xa2: {  	_ =	swait.ge [sflag:s23], $0x1  }
0xa3: {  	[sflag:s23] =	ssyncset.done $0x0  }
0xa4: {  	s25 =	simm.s32 $0x1B8E;
	s24 =	sld [smem:$0x3FFE];
	[sflag:s23] =	ssyncadd.s32 $0xFFFFFFFF  }
0xa5: {  	s26 =	simm.s32 $execute0_lowered;
	[smem:$0x3FD2] =	sst s25  }
0xa6: {  	s5 =	sshll.u32 s26, $0x1;
	_ =	strace $0x80000046;
	[dreg:$0x1] =	wrdreg $0xFFFFFFFF  }
0xa7: {  	s28 =	simm.s32 $_size_execute0_lowered;
	s3 =	sadd.s32 s3, s5;
	[dreg:$0x0] =	wrdreg $0x0  }
0xa8: {  	s5 =	sshll.u32 s28, $0x1;
	[dreg:$0x2] =	wrdreg s3  }
0xa9: {  	[dreg:$0x3] =	wrdreg s5  }
0xaa: {  	[dreg:$0x4] =	wrdreg $0xC0  }
0xab: {  	_ =	task [dreg:s7], $0x5FFFF  }
0xac: {  	[dreg:$0x1] =	wrdreg $0xFFFFFFFF  }
0xad: {  	[dreg:$0x0] =	wrdreg $0x60  }
0xae: {  	[dreg:$0x2] =	wrdreg s24  }
0xaf: {  	[dreg:$0x3] =	wrdreg s2  }
0xb0: {  	[dreg:$0x4] =	wrdreg $0x125000  }
0xb1: {  	[dreg:$0x5] =	wrdreg $0x1C5000  }
0xb2: {  	[dreg:$0x6] =	wrdreg $0x9  }
0xb3: {  	_ =	task.clear_ibuf [dreg:s7], $0x7FFFF;
	_ =	strace $0x90000046  }
0xb4: {  	s29 =	simm.s32 $0x9;
	_ =	strace $0x80000048  }
0xb5: {  	_ =	swait.ge [sflag:s29], $0x1  }
0xb6: {  	[sflag:s29] =	ssyncadd.s32 $0xFFFFFFFF  }
0xb7: {  	_ =	strace $0x90000048  }
0xb8: {  	_ =	sfence  }
0xb9: {  	s30 =	sld [smem:$0x0];
	_ =	sdelay $0x2  }
0xba: {  	s31 =	sshll.u32 s1, $0xD;
	s1 =	sshrl.u32 s1, $0x2  }
0xbb: {  	s3 =	sand.u32 $0x4000, s31;
	s1 =	sadd.s32 s1, s30  }
0xbc: {  	s0 =	sor.u32 s3, s0;
	s1 =	sshll.u32 s1, $0x11  }
0xbd: {  	s0 =	sor.u32 s1, s0  }
0xbe: {  	s0 =	sadd.s32 $0x8F2B, s0  }
0xbf: {  	[sflag:s0] =	ssyncadd.remote.s32 $0x1  }
0xc0: {  	_ =	sfence.sel $0xFFFF  }
0xc1: {  	[dreg:$0x0] =	wrdreg $0xFFFFFFFF;
	(pc) =	sbr.abs _section_cstart, $3  }
0xc2: {  	[dreg:$0x1] =	wrdreg $0xFFFFFFFF  }
0xc3: {  	_ =	task.clear_ibuf [dreg:s7], $0x2FFFF;
	_ =	strace $0x9FFFFFFF  }
0xc4: {  	(tm) =	ssettm $0x7FFFFFFF  }
0xc5: {  	_ =	shalt  }
tec
execute0_lowered:
.L_overlay_start_1:
0x0: {  	(tag) =	ssettag $0x1  }
0x1: {  	s0 =	rddreg [dreg:$0x0]  }
0x2: {  	s3 =	rddreg [dreg:$0x2]  }
0x3: {  	s4 =	rddreg [dreg:$0x3]  }
0x4: {  	s17 =	stileid.u32;
	s2 =	srdreg.scid  }
0x5: {  	s5 =	simm.s32 $0x0;
	s19 =	simm.s32 $0x4E80;
	s20 =	simm.s32 $0x11D00  }
0x6: {  	s21 =	simm.s32 $0x80;
	s22 =	simm.s32 $0x9D00;
	s28 =	simm.s32 $0xFD00  }
0x7: {  	s29 =	simm.s32 $0x1;
	s30 =	simm.s32 $0x2;
	s1 =	smul.u32 $0x9D0, s17  }
0x8: {  	s31 =	simm.s32 $0x0;
	s2 =	sand.u32 $0x1, s2;
	s10 =	smul.u32 $0xA000, s17  }
0x9: {  	[smem:$0x7FF] =	sst s5;
	s6 =	sadd.s32 $0x14C00, s0;
	s12 =	smul.u32 $0x2800, s17  }
0xa: {  	s7 =	sadd.s32 $0x1200, s0;
	s8 =	sadd.s32 $0x3C400, s0;
	s9 =	sadd.s32 $0x3C200, s0  }
0xb: {  	s25 =	sshll.u32 s17, $0x6;
	s17 =	simm.s32 $0x3;
	s11 =	smul.u32 $0xA0000, s2  }
0xc: {  	_ =	strace $0x80000047;
	s13 =	smul.u32 $0x28000, s2;
	s14 =	ssub.s32 $0x2, s2  }
0xd: {  	p0 =	seq.s32 s2, $0x1;
	s1 =	sadd.s32 s1, s0;
	s24 =	sshrl.u32 s14, $0x1  }
0xe: {  	s26 =	sadd.s32 s10, s3;
	s18 =	sadd.s32 s12, s4;
	s11 =	sadd.s32 s10, s11  }
.Ltmp0:
0xf: {  	s13 =	sadd.s32 s12, s13;
	s16 =	ssub.s32 s14, s24;
	(pc) =	sbr.rel .LBB2_1-.Ltmp0, $4  }
0x10: {  	s10 =	sor.u32 $0x1C03, s25;
	s12 =	sadd.s32 $0x28600, s1;
	s11 =	sshrl.u32 s11, $0x3  }
0x11: {  	s18 =	sshrl.u32 s18, $0x3;
	s23 =	sshrl.u32 s13, $0x3;
	s15 =	sadd.s32 s11, s0  }
0x12: {  	s0 =	sadd.s32 s23, s0;
	s11 =	sadd.s32 $0x32400, s1;
	s13 =	sadd.s32 $0x3D800, s15  }
0x13: {  	s14 =	sadd.s32 $0x65800, s0;
	s15 =	smax.u32 s16, $0x1;
	s16 =	sshrl.u32 s26, $0x3  }
.LBB2_7:
0x14: {  	[sflag:s24] =	ssyncset.done @!p2 $0x0  }
0x15: {  	[sflag:s24] =	ssyncadd.s32 @!p2 $0xFFFFF800  }
.LBB2_8:
0x16: {  	_ =	swait.ge [sflag:s30], $0x2000  }
0x17: {  	[sflag:s30] =	ssyncset.done $0x0  }
0x18: {  	[sflag:s30] =	ssyncadd.s32 $0xFFFFE000  }
0x19: {  	[bflag:$0x0] =	sbarrier.arrive $0xFFFF  }
0x1a: {  	[hbm:s13], [sflag:s10] =	dma.local [spmem:s16], $0x1400  }
0x1b: {  	s31 =	sadd.s32 $0x1, s31;
	_ =	swait.ge [sflag:s17], $0x1400  }
0x1c: {  	p1 =	sne.s32 s31, s15;
	[sflag:s17] =	ssyncset.done $0x0  }
.Ltmp1:
0x1d: {  	[sflag:s17] =	ssyncadd.s32 $0xFFFFEC00;
	(pc) =	sbr.rel @!p1 .LBB2_9-.Ltmp1, $4  }
0x1e: {  	[hbm:s14], [sflag:s10] =	dma.local [spmem:s18], $0x500  }
0x1f: {  	_ =	swait.ge [sflag:s17], $0x500  }
0x20: {  	[sflag:s17] =	ssyncset.done $0x0  }
0x21: {  	[sflag:s17] =	ssyncadd.s32 $0xFFFFFB00  }
.LBB2_1:
0x22: {  	[spmem:s16], [sflag:s10] =	dma.local [hbm:s8], $0x1400  }
0x23: {  	_ =	swait.ge [sflag:s17], $0x1400  }
0x24: {  	[sflag:s17] =	ssyncset.done $0x0  }
0x25: {  	[sflag:s17] =	ssyncadd.s32 $0xFFFFEC00  }
0x26: {  	s0 =	rddreg [dreg:$0x1]  }
0x27: {  	[spmem:s18], [sflag:s10] =	dma.local [hbm:s0], $0x500  }
0x28: {  	_ =	swait.ge [sflag:s17], $0x500  }
0x29: {  	[sflag:s17] =	ssyncset.done $0x0  }
0x2a: {  	[sflag:s17] =	ssyncadd.s32 $0xFFFFFB00  }
0x2b: {  	[tilespmem:s5], [sflag:$0x3] =	stream.linear.gather [hbm4b:s11+s5], $0x4E80, $0x38;
	[tilespmem:$0x1ED00] =	vst v63  }
0x2c: {  	_ =	swait.ge [sflag:s17], $0x4E80  }
0x2d: {  	[sflag:s17] =	ssyncset.done $0x0  }
0x2e: {  	[sflag:s17] =	ssyncadd.s32 $0xFFFFB180  }
0x2f: {  	[tilespmem:s19], [sflag:$0x3] =	stream.linear.gather [hbm4b:s12+s5], $0x4E80, $0x38;
	[tilespmem:$0x1ED00] =	vst v63  }
0x30: {  	_ =	swait.ge [sflag:s17], $0x4E80  }
0x31: {  	[sflag:s17] =	ssyncset.done $0x0  }
0x32: {  	[sflag:s17] =	ssyncadd.s32 $0xFFFFB180  }
0x33: {  	[tilespmem:s20], [sflag:$0x3] =	stream.linear.gather [hbm4b:s9+s5], $0x800, $0x38;
	[tilespmem:$0x1ED00] =	vst v63  }
.Ltmp2:
0x34: {  	_ =	swait.ge [sflag:s17], $0x800;
	(pc) =	sbr.rel @!p0 .LBB2_2-.Ltmp2, $3  }
0x35: {  	[sflag:s17] =	ssyncset.done $0x0  }
0x36: {  	[sflag:s17] =	ssyncadd.s32 $0xFFFFF800  }
0x37: {  	[bflag:$0x0] =	sbarrier.arrive $0xFFFF;
	_ =	sdelay $0x1  }
0x38: {  	[tilespmem:s22], [sflag:$0x1] =	stream.indirect.gather [hbm4b:s7+s21], $0x40, s5, s21, $0xb8;
	[tilespmem:$0x1ED00] =	vst v63  }
0x39: {  	s0 =	simm.s32 $0xBD00  }
0x3a: {  	[tilespmem:s0], [sflag:$0x1] =	stream.indirect.gather [hbm4b:s7+s21], $0x40, s21, s21, $0xb8;
	[tilespmem:$0x1ED00] =	vst v63  }
0x3b: {  	s23 =	simm.s32 $0x100;
	s1 =	simm.s32 $0xDD00;
	s0 =	simm.s32 $0x1  }
0x3c: {  	[tilespmem:s1], [sflag:$0x1] =	stream.indirect.gather [hbm4b:s7+s21], $0x40, s23, s21, $0xb8;
	[tilespmem:$0x1ED00] =	vst v63  }
0x3d: {  	_ =	swait.ge [sflag:s0], $0x2000  }
0x3e: {  	[sflag:s0] =	ssyncset.done $0x0  }
0x3f: {  	s24 =	simm.s32 $0x180;
	[sflag:s0] =	ssyncadd.s32 $0xFFFFE000  }
0x40: {  	[tilespmem:s28], [sflag:$0x1] =	stream.indirect.gather [hbm4b:s7+s21], $0x40, s24, s21, $0xb8;
	[tilespmem:$0x1ED00] =	vst v63  }
0x41: {  	_ = 	snop  }
0x42: {  	[spmem:s3] =	stream.indirect.scatter.add.f32 [tilespmem:s22], [sflag:$0x2], $0x40, s19, s21, $0xb8;
	[tilespmem:$0x1ED00] =	vst v63  }
0x43: {  	_ =	swait.ge [sflag:s29], $0x2000  }
0x44: {  	s2 =	simm.s32 $0x200;
	[sflag:s29] =	ssyncset.done $0x0  }
0x45: {  	p1 =	por $0x0, $0x0;
	s26 =	sand.u32 $0x1, s0;
	[sflag:s29] =	ssyncadd.s32 $0xFFFFE000  }
0x46: {  	s1 =	simm.s32 $0x8000;
	s23 =	simm.s32 $0x2000;
	_ =	swait.ge [sflag:s30], $0x2000  }
0x47: {  	s1 =	sand.u32 @!p1 $0x6000, s1;
	s23 =	sand.u32 $0x6000, s23;
	[sflag:s30] =	ssyncset.done $0x0  }
0x48: {  	s1 =	sor.u32 @!p1 $0x9D00, s1;
	s24 =	simm.s32 @!p1 $0x80;
	[sflag:s30] =	ssyncadd.s32 $0xFFFFE000  }
0x49: {  	[tilespmem:s1], [sflag:$0x1] =	stream.indirect.gather @!p1 [hbm4b:s7+s24], $0x40, s2, s24, $0xb8;
	[tilespmem:$0x1ED00] =	vst v63  }
0x4a: {  	p2 =	seq.s32 s26, $0x0;
	s25 =	sor.u32 $0x9D00, s23;
	s1 =	simm.s32 $0x4F00  }
0x4b: {  	[spmem:s3] =	stream.indirect.scatter.add.f32 [tilespmem:s25], [sflag:$0x2], $0x40, s1, s21, $0xb8;
	[tilespmem:$0x1ED00] =	vst v63  }
0x4c: {  	s23 =	simm.s32 @!p2 $0x11D00;
	s2 =	simm.s32 @!p2 $0x80  }
0x4d: {  	[spmem:s4] =	stream.indirect.scatter.add.f32 @!p2 [tilespmem:s23], [sflag:$0x3], $0x10, s1, s2, $0xb8;
	[tilespmem:$0x1ED00] =	vst v63  }
0x4e: {  	s24 =	simm.s32 @!p2 $0x3;
	s1 =	simm.s32 $0xA000  }
0x4f: {  	s2 =	simm.s32 $0x4F80;
	s23 =	simm.s32 $0x280;
	_ =	swait.ge @!p2 [sflag:s24], $0x800  }
.LBB2_6:
0x50: {  	[sflag:s24] =	ssyncset.done @!p2 $0x0  }
0x51: {  	s0 =	sadd.s32 $0x1, s0;
	s25 =	smov.u32 s1;
	s1 =	sadd.s32 $0x2000, s1  }
0x52: {  	p1 =	sne.s32 s1, $0x140000;
	[sflag:s24] =	ssyncadd.s32 @!p2 $0xFFFFF800  }
0x53: {  	_ =	swait.ge [sflag:s29], $0x2000  }
0x54: {  	[sflag:s29] =	ssyncset.done $0x0  }
0x55: {  	[sflag:s29] =	ssyncadd.s32 $0xFFFFE000  }
0x56: {  	s24 =	sadd.s32 $0xFFFFA000, s25;
	p2 =	sgt.u32 s0, $0x99;
	_ =	swait.ge [sflag:s30], $0x2000  }
0x57: {  	s25 =	sand.u32 @!p2 $0x6000, s25;
	s26 =	simm.s32 @!p2 $0x80;
	[sflag:s30] =	ssyncset.done $0x0  }
0x58: {  	s24 =	sand.u32 $0x6000, s24;
	s25 =	sor.u32 @!p2 $0x9D00, s25;
	[sflag:s30] =	ssyncadd.s32 $0xFFFFE000  }
0x59: {  	[tilespmem:s25], [sflag:$0x1] =	stream.indirect.gather @!p2 [hbm4b:s7+s26], $0x40, s23, s26, $0xb8;
	[tilespmem:$0x1ED00] =	vst v63  }
0x5a: {  	s24 =	sor.u32 $0x9D00, s24;
	s25 =	sand.u32 $0x1, s0  }
0x5b: {  	[spmem:s3] =	stream.indirect.scatter.add.f32 [tilespmem:s24], [sflag:$0x2], $0x40, s2, s21, $0xb8;
	[tilespmem:$0x1ED00] =	vst v63  }
.Ltmp3:
0x5c: {  	_ = 	snop;
	(pc) =	sbr.rel @p1 .LBB2_6-.Ltmp3, $4  }
0x5d: {  	p2 =	seq.s32 s25, $0x0  }
0x5e: {  	s25 =	simm.s32 @!p2 $0x80;
	s26 =	simm.s32 @!p2 $0x11D00;
	s24 =	simm.s32 @!p2 $0x3  }
0x5f: {  	[spmem:s4] =	stream.indirect.scatter.add.f32 @!p2 [tilespmem:s26], [sflag:$0x3], $0x10, s2, s25, $0xb8;
	[tilespmem:$0x1ED00] =	vst v63  }
0x60: {  	s23 =	sadd.s32 $0x80, s23;
	s2 =	sadd.s32 $0x80, s2;
	_ =	swait.ge @!p2 [sflag:s24], $0x800  }
.Ltmp4:
0x61: {  	_ = 	snop;
	(pc) =	sbr.rel .LBB2_7-.Ltmp4, $1  }
0x62: {  	_ =	sdelay $0x3  }
.LBB2_2:
0x63: {  	[tilespmem:s22], [sflag:$0x1] =	stream.indirect.gather [hbm4b:s6+s21], $0x40, s5, s21, $0xb8;
	[tilespmem:$0x1ED00] =	vst v63  }
0x64: {  	s0 =	simm.s32 $0xBD00  }
0x65: {  	[tilespmem:s0], [sflag:$0x1] =	stream.indirect.gather [hbm4b:s6+s21], $0x40, s21, s21, $0xb8;
	[tilespmem:$0x1ED00] =	vst v63  }
0x66: {  	s23 =	simm.s32 $0x100;
	s1 =	simm.s32 $0xDD00;
	s0 =	simm.s32 $0x1  }
0x67: {  	[tilespmem:s1], [sflag:$0x1] =	stream.indirect.gather [hbm4b:s6+s21], $0x40, s23, s21, $0xb8;
	[tilespmem:$0x1ED00] =	vst v63  }
0x68: {  	_ =	swait.ge [sflag:s0], $0x2000  }
0x69: {  	[sflag:s0] =	ssyncset.done $0x0  }
0x6a: {  	s24 =	simm.s32 $0x180;
	[sflag:s0] =	ssyncadd.s32 $0xFFFFE000  }
0x6b: {  	[tilespmem:s28], [sflag:$0x1] =	stream.indirect.gather [hbm4b:s6+s21], $0x40, s24, s21, $0xb8;
	[tilespmem:$0x1ED00] =	vst v63  }
0x6c: {  	_ = 	snop  }
0x6d: {  	[spmem:s3] =	stream.indirect.scatter.add.f32 [tilespmem:s22], [sflag:$0x2], $0x40, s19, s21, $0xb8;
	[tilespmem:$0x1ED00] =	vst v63  }
0x6e: {  	_ = 	snop  }
0x6f: {  	[spmem:s4] =	stream.indirect.scatter.add.f32 [tilespmem:s20], [sflag:$0x3], $0x10, s19, s21, $0xb8;
	[tilespmem:$0x1ED00] =	vst v63  }
0x70: {  	_ =	swait.ge [sflag:s17], $0x800  }
0x71: {  	[sflag:s17] =	ssyncset.done $0x0  }
0x72: {  	[sflag:s17] =	ssyncadd.s32 $0xFFFFF800  }
0x73: {  	_ =	swait.ge [sflag:s29], $0x2000  }
0x74: {  	s2 =	simm.s32 $0x200;
	[sflag:s29] =	ssyncset.done $0x0  }
0x75: {  	p1 =	por $0x0, $0x0;
	s26 =	sand.u32 $0x1, s0;
	[sflag:s29] =	ssyncadd.s32 $0xFFFFE000  }
0x76: {  	s1 =	simm.s32 $0x8000;
	s23 =	simm.s32 $0x2000;
	_ =	swait.ge [sflag:s30], $0x2000  }
0x77: {  	s1 =	sand.u32 @!p1 $0x6000, s1;
	s23 =	sand.u32 $0x6000, s23;
	[sflag:s30] =	ssyncset.done $0x0  }
0x78: {  	s1 =	sor.u32 @!p1 $0x9D00, s1;
	s24 =	simm.s32 @!p1 $0x80;
	[sflag:s30] =	ssyncadd.s32 $0xFFFFE000  }
0x79: {  	[tilespmem:s1], [sflag:$0x1] =	stream.indirect.gather @!p1 [hbm4b:s6+s24], $0x40, s2, s24, $0xb8;
	[tilespmem:$0x1ED00] =	vst v63  }
0x7a: {  	p2 =	seq.s32 s26, $0x1;
	s25 =	sor.u32 $0x9D00, s23;
	s1 =	simm.s32 $0x4F00  }
0x7b: {  	[spmem:s3] =	stream.indirect.scatter.add.f32 [tilespmem:s25], [sflag:$0x2], $0x40, s1, s21, $0xb8;
	[tilespmem:$0x1ED00] =	vst v63  }
0x7c: {  	s23 =	simm.s32 @!p2 $0x11D00;
	s2 =	simm.s32 @!p2 $0x80  }
0x7d: {  	[spmem:s4] =	stream.indirect.scatter.add.f32 @!p2 [tilespmem:s23], [sflag:$0x3], $0x10, s1, s2, $0xb8;
	[tilespmem:$0x1ED00] =	vst v63  }
0x7e: {  	s24 =	simm.s32 @!p2 $0x3;
	s1 =	simm.s32 $0xA000  }
0x7f: {  	s2 =	simm.s32 $0x4F80;
	s23 =	simm.s32 $0x280;
	_ =	swait.ge @!p2 [sflag:s24], $0x800  }
.LBB2_3:
0x80: {  	[sflag:s24] =	ssyncset.done @!p2 $0x0  }
0x81: {  	s0 =	sadd.s32 $0x1, s0;
	s25 =	smov.u32 s1;
	s1 =	sadd.s32 $0x2000, s1  }
0x82: {  	p1 =	seq.s32 s1, $0x140000;
	[sflag:s24] =	ssyncadd.s32 @!p2 $0xFFFFF800  }
0x83: {  	_ =	swait.ge [sflag:s29], $0x2000  }
0x84: {  	[sflag:s29] =	ssyncset.done $0x0  }
0x85: {  	[sflag:s29] =	ssyncadd.s32 $0xFFFFE000  }
0x86: {  	s24 =	sadd.s32 $0xFFFFA000, s25;
	p2 =	sgt.u32 s0, $0x99;
	_ =	swait.ge [sflag:s30], $0x2000  }
0x87: {  	s25 =	sand.u32 @!p2 $0x6000, s25;
	s26 =	simm.s32 @!p2 $0x80;
	[sflag:s30] =	ssyncset.done $0x0  }
0x88: {  	s24 =	sand.u32 $0x6000, s24;
	s25 =	sor.u32 @!p2 $0x9D00, s25;
	[sflag:s30] =	ssyncadd.s32 $0xFFFFE000  }
0x89: {  	[tilespmem:s25], [sflag:$0x1] =	stream.indirect.gather @!p2 [hbm4b:s6+s26], $0x40, s23, s26, $0xb8;
	[tilespmem:$0x1ED00] =	vst v63  }
0x8a: {  	s24 =	sor.u32 $0x9D00, s24;
	s25 =	sand.u32 $0x1, s0  }
0x8b: {  	[spmem:s3] =	stream.indirect.scatter.add.f32 [tilespmem:s24], [sflag:$0x2], $0x40, s2, s21, $0xb8;
	[tilespmem:$0x1ED00] =	vst v63  }
.Ltmp5:
0x8c: {  	_ = 	snop;
	(pc) =	sbr.rel @!p1 .LBB2_3-.Ltmp5, $4  }
0x8d: {  	p2 =	seq.s32 s25, $0x1  }
0x8e: {  	s25 =	simm.s32 @!p2 $0x80;
	s26 =	simm.s32 @!p2 $0x11D00;
	s24 =	simm.s32 @!p2 $0x3  }
0x8f: {  	[spmem:s4] =	stream.indirect.scatter.add.f32 @!p2 [tilespmem:s26], [sflag:$0x3], $0x10, s2, s25, $0xb8;
	[tilespmem:$0x1ED00] =	vst v63  }
0x90: {  	s23 =	sadd.s32 $0x80, s23;
	s2 =	sadd.s32 $0x80, s2;
	_ =	swait.ge @!p2 [sflag:s24], $0x800  }
.Ltmp6:
0x91: {  	(pc) =	sbr.rel .LBB2_8-.Ltmp6, $3  }
0x92: {  	_ =	sdelay $0x1  }
0x93: {  	[sflag:s24] =	ssyncset.done @!p2 $0x0  }
0x94: {  	[sflag:s24] =	ssyncadd.s32 @!p2 $0xFFFFF800  }
.LBB2_9:
0x95: {  	_ =	sfence.sel $0x180000  }
0x96: {  	[bflag:$0x0] =	sbarrier.arrive $0xFFFF  }
0x97: {  	_ =	strace $0x90000047  }
0x98: {  	s0 =	stileid.u32;
	[bflag:$0x2] =	sbarrier.arrive $0xFFFF  }
0x99: {  	p0 =	sne.s32 s0, $0x0;
	s0 =	rddreg [dreg:$0x4]  }
0x9a: {  	s0 =	sadd.s32 @!p0 $0x100000, s0  }
0x9b: {  	[sflag:s0] =	ssyncadd.tile.s32 @!p0 $0x1;
	_ =	shalt  }
.Lfunc_end2:
_tile_overlayer_lowered:
.L_overlay_start_2:
0x9c: {  	(tag) =	ssettag $0x2  }
0x9d: {  	s0 =	rddreg [dreg:$0x0];
	s2 =	stileid.u32  }
0x9e: {  	s1 =	rddreg [dreg:$0x1];
	p0 =	sne.s32 s2, $0x0  }
0x9f: {  	s3 =	rddreg [dreg:$0x2];
	[bflag:$0x3] =	sbarrier.arrive $0xFFFF;
	s2 =	simm.s32 @!p0 $0x1C03  }
0xa0: {  	[timem:s3], [sflag:s2] =	dma.local @!p0 [hbm:s0], s1  }
0xa1: {  	s0 =	simm.s32 @!p0 $0x3  }
0xa2: {  	_ =	swait.ge @!p0 [sflag:s0], s1  }
0xa3: {  	s1 =	ssub.s32 @!p0 $0x0, s1;
	[sflag:s0] =	ssyncset.done @!p0 $0x0  }
0xa4: {  	[sflag:s0] =	ssyncadd.s32 @!p0 s1  }
0xa5: {  	[bflag:$0x3] =	sbarrier.arrive $0xFFFF  }
0xa6: {  	_ =	shalt  }

// kernel: kernel.9.cloned.1.call-start
scs
__scs_entry_jumppad:
0x0: {  	(pc) =	sbr.rel $0x88, $3  }
0x1: {  	(tag) =	ssettag $0x0;
	lr =	simm.s32 $0x1  }
0x2: {  	[smem:$0x3F99] =	sst lr;
	_ =	strace $0xD0000000  }
0x3: {  	_ = 	snop  }
0x4: {  	_ = 	snop  }
0x5: {  	_ = 	snop  }
0x6: {  	_ = 	snop  }
0x7: {  	_ = 	snop  }
__scs_overlays_trampoline_lowered:
0x8: {  	[smem:$0x3FA8] =	sst s0  }
0x9: {  	[smem:$0x3FA9] =	sst s1  }
0xa: {  	[smem:$0x3FAA] =	sst s2  }
0xb: {  	[smem:$0x3FAB] =	sst s3  }
0xc: {  	[smem:$0x3FAC] =	sst s4  }
0xd: {  	[smem:$0x3FAD] =	sst s5  }
0xe: {  	[smem:$0x3FAE] =	sst s6  }
0xf: {  	[smem:$0x3FAF] =	sst s7  }
0x10: {  	[smem:$0x3FB0] =	sst s8  }
0x11: {  	[smem:$0x3FB1] =	sst s9;
	s0 =	simm.s32 @!p0 $0x0  }
0x12: {  	s1 =	sld [smem:$0x3F97];
	s0 =	simm.s32 @p0 $0x1  }
0x13: {  	[smem:$0x3FB2] =	sst s0;
	s0 =	simm.s32 @!p1 $0x0  }
0x14: {  	s2 =	sld [smem:$0x3F96];
	s0 =	simm.s32 @p1 $0x1  }
0x15: {  	[smem:$0x3FB3] =	sst s0;
	s0 =	simm.s32 @!p2 $0x0  }
0x16: {  	s3 =	sld [smem:$0x3FDB];
	s0 =	simm.s32 @p2 $0x1  }
0x17: {  	s4 =	simm.s32 $0x1BF5;
	[smem:$0x3FB5] =	sst s0  }
0x18: {  	s0 =	sld [smem:$0x3F98];
	_ =	swait.ge [sflag:s4], $0x0  }
0x19: {  	s7 =	sld [smem:$0x3F99]  }
0x1a: {  	s8 =	sadd.s32 $0xFFFFE003, lr  }
0x1b: {  	s9 =	sadd.s32 $0xFFFFFEF7, lr;
	s5 =	simm.s32 $0xFFFFFFFF;
	p2 =	slt.u32 s8, $0xFFFFF086  }
0x1c: {  	p1 =	slt.u32 s9, $0xF7A;
	s5 =	simm.s32 @!p2 $0x0  }
0x1d: {  	s5 =	simm.s32 @p1 $0x1;
	p0 =	seq.s32 s7, s2  }
0x1e: {  	s7 =	smul.u32 @!p0 $0xF7A, s2;
	p2 =	seq.s32 @!p0 s5, $0x0  }
0x1f: {  	s9 =	smul.u32 $0xF7A, s1;
	s8 =	simm.s32 @!p0 $0x1BF5;
	p2 =	por !p2, p0  }
0x20: {  	[sflag:s8] =	ssyncset.s32 @!p0 $0xFFFFF086;
	s6 =	sadd.s32 @!p0 s3, s7;
	s7 =	simm.s32 @!p0 $0x108  }
0x21: {  	s3 =	sadd.s32 s3, s9;
	s6 =	sadd.s32 @!p0 $0x88, s6;
	s7 =	simm.s32 @p2 $0x1082  }
0x22: {  	[simem:s7], [sflag:s8] =	dma.local @!p0 [hbm:s6], $0xF7A  }
0x23: {  	s9 =	sor.u32 $0xD0000000, s2;
	s6 =	simm.s32 $0x108;
	_ =	swait.ge @!p0 [sflag:s8], $0x0  }
0x24: {  	s3 =	sadd.s32 $0x88, s3;
	s6 =	simm.s32 @!p1 $0x1082;
	[sflag:s4] =	ssyncset.s32 $0xFFFFF086  }
0x25: {  	[simem:s6], [sflag:s4] =	dma.local [hbm:s3], $0xF7A  }
0x26: {  	[smem:$0x3F99] =	sst s1;
	(tag) =	ssettag s2;
	_ =	strace s9  }
0x27: {  	s1 =	sld [smem:$0x3FA9]  }
0x28: {  	s2 =	sld [smem:$0x3FAA]  }
0x29: {  	s4 =	sld [smem:$0x3FAC]  }
0x2a: {  	p0 =	seq.s32 s5, $0x0;
	s5 =	sld [smem:$0x3FAD]  }
0x2b: {  	s6 =	sld [smem:$0x3FAE]  }
0x2c: {  	s7 =	sld [smem:$0x3FAF]  }
0x2d: {  	s3 =	simm.s32 $0x108;
	s8 =	sld [smem:$0x3FB0]  }
0x2e: {  	s3 =	simm.s32 @!p0 $0x1082;
	s9 =	sld [smem:$0x3FB1]  }
0x2f: {  	lr =	sadd.s32 s0, s3;
	s0 =	sld [smem:$0x3FA8]  }
0x30: {  	s3 =	sld [smem:$0x3FAB]  }
0x31: {  	[smem:$0x3FB4] =	sst s10  }
0x32: {  	s10 =	sld [smem:$0x3FB2];
	_ =	sdelay $0x3  }
0x33: {  	p0 =	seq.s32 s10, $0x1;
	s10 =	sld [smem:$0x3FB4];
	_ =	sdelay $0x3  }
0x34: {  	[smem:$0x3FB4] =	sst s10  }
0x35: {  	s10 =	sld [smem:$0x3FB3];
	_ =	sdelay $0x3  }
0x36: {  	p1 =	seq.s32 s10, $0x1;
	s10 =	sld [smem:$0x3FB4];
	_ =	sdelay $0x3  }
0x37: {  	[smem:$0x3FB4] =	sst s10  }
0x38: {  	s10 =	sld [smem:$0x3FB5]  }
0x39: {  	_ = 	snop;
	(pc) =	sbr.ind lr, $3  }
0x3a: {  	_ = 	snop  }
0x3b: {  	_ = 	snop  }
0x3c: {  	p2 =	seq.s32 s10, $0x1;
	s10 =	sld [smem:$0x3FB4]  }
0x3d: {  	_ =	shalt  }
0x3e: {  	_ =	shalt  }
0x3f: {  	_ =	shalt  }
0x40: {  	_ =	shalt  }
0x41: {  	_ =	shalt  }
0x42: {  	_ =	shalt  }
0x43: {  	_ =	shalt  }
0x44: {  	_ =	shalt  }
0x45: {  	_ =	shalt  }
0x46: {  	_ =	shalt  }
0x47: {  	_ =	shalt  }
0x48: {  	_ =	shalt  }
0x49: {  	_ =	shalt  }
0x4a: {  	_ =	shalt  }
0x4b: {  	_ =	shalt  }
0x4c: {  	_ =	shalt  }
0x4d: {  	_ =	shalt  }
0x4e: {  	_ =	shalt  }
0x4f: {  	_ =	shalt  }
0x50: {  	_ =	shalt  }
0x51: {  	_ =	shalt  }
0x52: {  	_ =	shalt  }
0x53: {  	_ =	shalt  }
0x54: {  	_ =	shalt  }
0x55: {  	_ =	shalt  }
0x56: {  	_ =	shalt  }
0x57: {  	_ =	shalt  }
0x58: {  	_ =	shalt  }
0x59: {  	_ =	shalt  }
0x5a: {  	_ =	shalt  }
0x5b: {  	_ =	shalt  }
0x5c: {  	_ =	shalt  }
0x5d: {  	_ =	shalt  }
0x5e: {  	_ =	shalt  }
0x5f: {  	_ =	shalt  }
0x60: {  	_ =	shalt  }
0x61: {  	_ =	shalt  }
0x62: {  	_ =	shalt  }
0x63: {  	_ =	shalt  }
0x64: {  	_ =	shalt  }
0x65: {  	_ =	shalt  }
0x66: {  	_ =	shalt  }
0x67: {  	_ =	shalt  }
0x68: {  	_ =	shalt  }
0x69: {  	_ =	shalt  }
0x6a: {  	_ =	shalt  }
0x6b: {  	_ =	shalt  }
0x6c: {  	_ =	shalt  }
0x6d: {  	_ =	shalt  }
0x6e: {  	_ =	shalt  }
0x6f: {  	_ =	shalt  }
0x70: {  	_ =	shalt  }
0x71: {  	_ =	shalt  }
0x72: {  	_ =	shalt  }
0x73: {  	_ =	shalt  }
0x74: {  	_ =	shalt  }
0x75: {  	_ =	shalt  }
0x76: {  	_ =	shalt  }
0x77: {  	_ =	shalt  }
0x78: {  	_ =	shalt  }
0x79: {  	_ =	shalt  }
0x7a: {  	_ =	shalt  }
0x7b: {  	_ =	shalt  }
0x7c: {  	_ =	shalt  }
0x7d: {  	_ =	shalt  }
0x7e: {  	_ =	shalt  }
0x7f: {  	_ =	shalt  }
0x80: {  	_ =	shalt  }
0x81: {  	_ =	shalt  }
0x82: {  	_ =	shalt  }
0x83: {  	_ =	shalt  }
0x84: {  	_ =	shalt  }
0x85: {  	_ =	shalt  }
0x86: {  	_ =	shalt  }
0x87: {  	_ =	shalt  }
.Lfunc_end0:
.L_simem_size_0:
called_computation.1_lowered:
.L_overlay_start_0:
0x88: {  	s2 =	sld [smem:$0x3FD9]  }
0x89: {  	s3 =	sld [smem:$0x3FFE];
	_ =	sdelay $0x1  }
0x8a: {  	s1 =	srdreg.scid  }
0x8b: {  	s0 =	sand.u32 $0x1, s1  }
0x8c: {  	s17 =	sshll.u32 s0, $0xA;
	s2 =	sadd.s32 s3, s2  }
0x8d: {  	s2 =	sadd.s32 s2, s17  }
0x8e: {  	[smem:$0x3FC0] =	sst s2  }
0x8f: {  	_ = 	snop  }
0x90: {  	s2 =	sld [smem:$0x3FD0];
	(tm) =	ssettm $0x1  }
0x91: {  	s18 =	sld [smem:$0x3FFB];
	_ =	sdelay $0x3  }
0x92: {  	_ =	strace s18  }
0x93: {  	s3 =	sld [smem:$0x3FFC];
	_ =	sdelay $0x3  }
0x94: {  	_ =	strace s3  }
0x95: {  	s3 =	sld [smem:$0x3FFD];
	_ =	sdelay $0x3  }
0x96: {  	_ =	strace s3  }
0x97: {  	_ =	strace $0x8FFFFFFF  }
0x98: {  	s19 =	sld [smem:$0x3FDB];
	_ =	sdelay $0x1  }
0x99: {  	s4 =	simm.s32 $_scs_section_size  }
0x9a: {  	s5 =	simm.s32 $_size__tile_overlayer_lowered;
	s6 =	simm.s32 $_tile_overlayer_lowered  }
0x9b: {  	s22 =	simm.s32 $0x1BFF;
	s21 =	sshll.u32 s6, $0x1;
	s3 =	sadd.s32 s4, s19  }
0x9c: {  	s7 =	simm.s32 $0x0;
	s20 =	sshll.u32 s5, $0x1;
	s5 =	sadd.s32 s21, s3  }
0x9d: {  	[timem:s7], [sflag:s22] =	dma.local [hbm:s5], s20  }
0x9e: {  	_ =	swait.ge [sflag:s22], s20  }
0x9f: {  	s4 =	ssub.s32 $0x0, s20;
	[sflag:s22] =	ssyncset.done $0x0  }
0xa0: {  	[sflag:s22] =	ssyncadd.s32 s4;
	_ =	sdelay $0x1  }
0xa1: {  	s23 =	simm.s32 $0x1B8B  }
0xa2: {  	_ =	swait.ge [sflag:s23], $0x1  }
0xa3: {  	[sflag:s23] =	ssyncset.done $0x0  }
0xa4: {  	s25 =	simm.s32 $0x1B8E;
	s24 =	sld [smem:$0x3FFE];
	[sflag:s23] =	ssyncadd.s32 $0xFFFFFFFF  }
0xa5: {  	s26 =	simm.s32 $execute0_lowered;
	[smem:$0x3FD2] =	sst s25  }
0xa6: {  	s5 =	sshll.u32 s26, $0x1;
	_ =	strace $0x80000049;
	[dreg:$0x1] =	wrdreg $0xFFFFFFFF  }
0xa7: {  	s28 =	simm.s32 $_size_execute0_lowered;
	s3 =	sadd.s32 s3, s5;
	[dreg:$0x0] =	wrdreg $0x0  }
0xa8: {  	s5 =	sshll.u32 s28, $0x1;
	[dreg:$0x2] =	wrdreg s3  }
0xa9: {  	[dreg:$0x3] =	wrdreg s5  }
0xaa: {  	[dreg:$0x4] =	wrdreg $0xC0  }
0xab: {  	_ =	task [dreg:s7], $0x5FFFF  }
0xac: {  	[dreg:$0x1] =	wrdreg $0xFFFFFFFF  }
0xad: {  	[dreg:$0x0] =	wrdreg $0x60  }
0xae: {  	[dreg:$0x2] =	wrdreg s24  }
0xaf: {  	[dreg:$0x3] =	wrdreg s2  }
0xb0: {  	[dreg:$0x4] =	wrdreg $0xCD000  }
0xb1: {  	[dreg:$0x5] =	wrdreg $0x9  }
0xb2: {  	_ =	task.clear_ibuf [dreg:s7], $0x6FFFF;
	_ =	strace $0x90000049  }
0xb3: {  	s29 =	simm.s32 $0x9;
	_ =	strace $0x8000004B  }
0xb4: {  	_ =	swait.ge [sflag:s29], $0x1  }
0xb5: {  	[sflag:s29] =	ssyncadd.s32 $0xFFFFFFFF  }
0xb6: {  	_ =	strace $0x9000004B  }
0xb7: {  	_ =	sfence  }
0xb8: {  	s30 =	sld [smem:$0x0];
	_ =	sdelay $0x2  }
0xb9: {  	s31 =	sshll.u32 s1, $0xD;
	s1 =	sshrl.u32 s1, $0x2  }
0xba: {  	s3 =	sand.u32 $0x4000, s31;
	s1 =	sadd.s32 s1, s30  }
0xbb: {  	s0 =	sor.u32 s3, s0;
	s1 =	sshll.u32 s1, $0x11  }
0xbc: {  	s0 =	sor.u32 s1, s0  }
0xbd: {  	s0 =	sadd.s32 $0x8F2B, s0  }
0xbe: {  	[sflag:s0] =	ssyncadd.remote.s32 $0x1  }
0xbf: {  	_ =	sfence.sel $0xFFFF  }
0xc0: {  	[dreg:$0x0] =	wrdreg $0xFFFFFFFF;
	(pc) =	sbr.abs _section_cstart, $3  }
0xc1: {  	[dreg:$0x1] =	wrdreg $0xFFFFFFFF  }
0xc2: {  	_ =	task.clear_ibuf [dreg:s7], $0x2FFFF;
	_ =	strace $0x9FFFFFFF  }
0xc3: {  	(tm) =	ssettm $0x7FFFFFFF  }
tec
execute0_lowered:
.L_overlay_start_1:
0x0: {  	(tag) =	ssettag $0x1  }
0x1: {  	s0 =	rddreg [dreg:$0x0]  }
0x2: {  	s3 =	rddreg [dreg:$0x2]  }
0x3: {  	s1 =	stileid.u32;
	s5 =	srdreg.scid  }
0x4: {  	s4 =	simm.s32 $0x0;
	s19 =	simm.s32 $0x80;
	s20 =	simm.s32 $0xA500  }
0x5: {  	s21 =	simm.s32 $0xAD00;
	s22 =	simm.s32 $0x1;
	s23 =	simm.s32 $0x2  }
0x6: {  	s24 =	simm.s32 $0x3;
	s25 =	simm.s32 $0x0;
	s6 =	smul.u32 $0x2800, s1  }
0x7: {  	s10 =	sand.u32 $0x1, s5;
	[smem:$0x7FF] =	sst s4;
	s8 =	smul.u32 $0x9D0, s1  }
0x8: {  	s5 =	sadd.s32 $0x1200, s0;
	s31 =	sshll.u32 s1, $0x6;
	s7 =	smul.u32 $0x28000, s10  }
0x9: {  	_ =	strace $0x8000004A;
	s9 =	ssub.s32 $0x2, s10;
	s8 =	sadd.s32 s8, s0  }
0xa: {  	s11 =	sshrl.u32 s9, $0x1;
	s17 =	sadd.s32 s6, s3;
	s7 =	sadd.s32 s6, s7  }
0xb: {  	s14 =	ssub.s32 s9, s11;
	s6 =	sor.u32 $0x1C03, s31;
	s9 =	sxor.u32 $0x4F, s10  }
0xc: {  	s10 =	sshll.u32 s10, $0x7;
	s17 =	sshrl.u32 s17, $0x3;
	s7 =	sshrl.u32 s7, $0x3  }
0xd: {  	s11 =	sor.u32 $0x100, s10;
	s12 =	sor.u32 $0x200, s10;
	s14 =	smax.u32 s14, $0x1  }
0xe: {  	s15 =	sadd.s32 $0x4E80, s10;
	s16 =	sor.u32 $0x300, s10;
	s0 =	sadd.s32 s7, s0  }
0xf: {  	s7 =	sadd.s32 $0x32400, s8;
	s8 =	sadd.s32 $0x28600, s8;
	s13 =	sadd.s32 $0x6200, s0  }
.LBB2_1:
0x10: {  	s0 =	rddreg [dreg:$0x1]  }
0x11: {  	[spmem:s17], [sflag:s6] =	dma.local [hbm:s0], $0x500  }
0x12: {  	_ =	swait.ge [sflag:s24], $0x500  }
0x13: {  	[sflag:s24] =	ssyncset.done $0x0  }
0x14: {  	[sflag:s24] =	ssyncadd.s32 $0xFFFFFB00  }
0x15: {  	[tilespmem:s4], [sflag:$0x3] =	stream.linear.gather [hbm4b:s7+s4], $0x4E80, $0x38;
	[tilespmem:$0xF500] =	vst v63  }
0x16: {  	_ =	swait.ge [sflag:s24], $0x4E80  }
0x17: {  	[sflag:s24] =	ssyncset.done $0x0  }
0x18: {  	s26 =	simm.s32 $0x4E80;
	[sflag:s24] =	ssyncadd.s32 $0xFFFFB180  }
0x19: {  	[tilespmem:s26], [sflag:$0x3] =	stream.linear.gather [hbm4b:s8+s4], $0x4E80, $0x38;
	[tilespmem:$0xF500] =	vst v63  }
0x1a: {  	_ =	swait.ge [sflag:s24], $0x4E80  }
0x1b: {  	[sflag:s24] =	ssyncset.done $0x0  }
0x1c: {  	[sflag:s24] =	ssyncadd.s32 $0xFFFFB180  }
0x1d: {  	s26 =	simm.s32 $0x9D00;
	[bflag:$0x0] =	sbarrier.arrive $0xFFFF  }
0x1e: {  	[tilespmem:s26], [sflag:$0x1] =	stream.indirect.gather [hbm4b:s5+s19], $0x10, s10, s19, $0xb8;
	[tilespmem:$0xF500] =	vst v63  }
0x1f: {  	s28 =	simm.s32 $0xB500;
	s29 =	smov.u32 s16  }
0x20: {  	[tilespmem:s20], [sflag:$0x1] =	stream.indirect.gather [hbm4b:s5+s19], $0x10, s11, s19, $0xb8;
	[tilespmem:$0xF500] =	vst v63  }
0x21: {  	s30 =	smov.u32 s15;
	s31 =	simm.s32 $0x3;
	s0 =	simm.s32 $0x0  }
0x22: {  	[tilespmem:s21], [sflag:$0x1] =	stream.indirect.gather [hbm4b:s5+s19], $0x10, s12, s19, $0xb8;
	[tilespmem:$0xF500] =	vst v63  }
.LBB2_2:
0x23: {  	s1 =	smulhi.u32 $0xAAAAAAAB, s31;
	_ =	swait.ge [sflag:s22], $0x800  }
0x24: {  	s2 =	smulhi.u32 $0xAAAAAAAB, s0;
	p0 =	slt.u32 s0, $0x3;
	[sflag:s22] =	ssyncset.done $0x0  }
0x25: {  	s18 =	simm.s32 @!p0 $0x2;
	s1 =	sshrl.u32 s1, $0x2;
	[sflag:s22] =	ssyncadd.s32 $0xFFFFF800  }
0x26: {  	s1 =	smul.u32 $0xFFFF4000, s1;
	_ =	swait.ge @!p0 [sflag:s18], $0x800  }
0x27: {  	s0 =	sadd.s32 $0x3, s0;
	s2 =	sshrl.u32 s2, $0x2;
	[sflag:s18] =	ssyncset.done @!p0 $0x0  }
0x28: {  	s1 =	sshra.s32 s1, $0x2;
	[sflag:s18] =	ssyncadd.s32 @!p0 $0xFFFFF800;
	p0 =	sge.u32 s0, s9  }
0x29: {  	s0 =	sadd.s32 $0xFFFFFFFE, s0;
	s1 =	sadd.s32 s1, s28;
	s18 =	simm.s32 @!p0 $0x80  }
0x2a: {  	[tilespmem:s1], [sflag:$0x1] =	stream.indirect.gather @!p0 [hbm4b:s5+s18], $0x10, s29, s18, $0xb8;
	[tilespmem:$0xF500] =	vst v63  }
0x2b: {  	s2 =	smul.u32 $0xFFFF4000, s2;
	p0 =	sne.s32 s0, s9  }
.Ltmp0:
0x2c: {  	_ = 	snop;
	(pc) =	sbr.rel @p0 .LBB2_2-.Ltmp0, $4  }
0x2d: {  	s2 =	sshra.s32 s2, $0x2  }
0x2e: {  	s31 =	sadd.s32 $0x1, s31;
	s28 =	sadd.s32 $0x800, s28;
	s18 =	sadd.s32 s2, s26  }
0x2f: {  	[spmem:s3] =	stream.indirect.scatter.add.f32 [tilespmem:s18], [sflag:$0x2], $0x10, s30, s19, $0xb8;
	[tilespmem:$0xF500] =	vst v63  }
0x30: {  	s29 =	sadd.s32 $0x100, s29;
	s26 =	sadd.s32 $0x800, s26;
	s30 =	sadd.s32 $0x100, s30  }
0x31: {  	_ =	swait.ge [sflag:s23], $0x800  }
0x32: {  	[sflag:s23] =	ssyncset.done $0x0  }
0x33: {  	[sflag:s23] =	ssyncadd.s32 $0xFFFFF800  }
0x34: {  	_ =	swait.ge [sflag:s23], $0x800  }
0x35: {  	[sflag:s23] =	ssyncset.done $0x0  }
0x36: {  	[sflag:s23] =	ssyncadd.s32 $0xFFFFF800  }
0x37: {  	_ =	swait.ge [sflag:s23], $0x800  }
0x38: {  	s25 =	sadd.s32 $0x1, s25;
	[sflag:s23] =	ssyncset.done $0x0  }
0x39: {  	p0 =	sne.s32 s25, s14;
	[sflag:s23] =	ssyncadd.s32 $0xFFFFF800  }
.Ltmp1:
0x3a: {  	[bflag:$0x0] =	sbarrier.arrive $0xFFFF;
	(pc) =	sbr.rel @p0 .LBB2_1-.Ltmp1, $4  }
0x3b: {  	[hbm:s13], [sflag:s6] =	dma.local [spmem:s17], $0x500  }
0x3c: {  	_ =	swait.ge [sflag:s24], $0x500  }
0x3d: {  	[sflag:s24] =	ssyncset.done $0x0  }
0x3e: {  	[sflag:s24] =	ssyncadd.s32 $0xFFFFFB00  }
0x3f: {  	_ =	sfence.sel $0x180000  }
0x40: {  	[bflag:$0x0] =	sbarrier.arrive $0xFFFF  }
0x41: {  	_ =	strace $0x9000004A  }
0x42: {  	s0 =	stileid.u32;
	[bflag:$0x2] =	sbarrier.arrive $0xFFFF  }
0x43: {  	p0 =	sne.s32 s0, $0x0;
	s0 =	rddreg [dreg:$0x3]  }
0x44: {  	s0 =	sadd.s32 @!p0 $0x100000, s0  }
0x45: {  	[sflag:s0] =	ssyncadd.tile.s32 @!p0 $0x1;
	_ =	shalt  }
.Lfunc_end2:
_tile_overlayer_lowered:
.L_overlay_start_2:
0x46: {  	(tag) =	ssettag $0x2  }
0x47: {  	s0 =	rddreg [dreg:$0x0];
	s2 =	stileid.u32  }
0x48: {  	s1 =	rddreg [dreg:$0x1];
	p0 =	sne.s32 s2, $0x0  }
0x49: {  	s3 =	rddreg [dreg:$0x2];
	[bflag:$0x3] =	sbarrier.arrive $0xFFFF;
	s2 =	simm.s32 @!p0 $0x1C03  }
0x4a: {  	[timem:s3], [sflag:s2] =	dma.local @!p0 [hbm:s0], s1  }
0x4b: {  	s0 =	simm.s32 @!p0 $0x3  }
0x4c: {  	_ =	swait.ge @!p0 [sflag:s0], s1  }
0x4d: {  	s1 =	ssub.s32 @!p0 $0x0, s1;
	[sflag:s0] =	ssyncset.done @!p0 $0x0  }
0x4e: {  	[sflag:s0] =	ssyncadd.s32 @!p0 s1  }
0x4f: {  	[bflag:$0x3] =	sbarrier.arrive $0xFFFF  }
0x50: {  	_ =	shalt  }

</sc_bundles>
